<compile_context>
chip_gen: v7x
topology: tpu7x:2x2x1
jax: 0.10.2.dev20260603
libtpu: 0.0.44.dev20260713+nightly
codegen_flags: <defaults>
</compile_context>

<pallas_src>
import functools

import jax
import jax.numpy as jnp
from jax import lax
from jax.experimental import pallas as pl
from jax.experimental.pallas import tpu as pltpu
from jax.experimental.pallas import tpu_sc as plsc

M_ROWS = 1000000
DIM = 16
LANES = 16
NUM_CORES = 2
NUM_SUBCORES = 16
NUM_WORKERS = NUM_CORES * NUM_SUBCORES

CHUNK_COLS = 1024
GROUPS = CHUNK_COLS // LANES
CHUNKS_PER_WORKER = 12
SC_ROWS = CHUNK_COLS * NUM_WORKERS * CHUNKS_PER_WORKER
TC_BLOCK = 65536
TC_BLOCK0 = SC_ROWS // TC_BLOCK
NBUF = 4


def _sc_body(itT_hbm, user_hbm, out_hbm, u_v, *bufs):
    bufA = list(bufs[0:NBUF])
    bufB = list(bufs[NBUF:2 * NBUF])
    outv = list(bufs[2 * NBUF:3 * NBUF])
    insem = list(bufs[3 * NBUF:4 * NBUF])
    outsem = list(bufs[4 * NBUF:5 * NBUF])
    wid = lax.axis_index("s") * NUM_CORES + lax.axis_index("c")

    pltpu.sync_copy(user_hbm.at[0], u_v)
    u = u_v[...]
    ub = [
        jnp.take_along_axis(u, jnp.full((LANES,), d, jnp.int32), 0,
                            mode="promise_in_bounds")
        for d in range(DIM)
    ]

    def make_compute(k):
        bA, bB, ov = bufA[k], bufB[k], outv[k]

        def group_body(g, _):
            off = g * LANES
            acc = bA[0, pl.ds(off, LANES)] * ub[0]
            for d in range(1, 8):
                acc = acc + bA[d, pl.ds(off, LANES)] * ub[d]
            for d in range(8, DIM):
                acc = acc + bB[d - 8, pl.ds(off, LANES)] * ub[d]
            ov[pl.ds(off, LANES)] = acc
            return 0
        return lambda: lax.fori_loop(0, GROUPS, group_body, 0, unroll=False)

    computes = [make_compute(k) for k in range(NBUF)]

    def in_slices(c):
        col0 = c * CHUNK_COLS
        return (itT_hbm.at[pl.ds(0, 8), pl.ds(col0, CHUNK_COLS)],
                itT_hbm.at[pl.ds(8, 8), pl.ds(col0, CHUNK_COLS)])

    def start_in(c, k):
        sa, sb = in_slices(c)
        pltpu.async_copy(sa, bufA[k], insem[k])
        pltpu.async_copy(sb, bufB[k], insem[k])

    def wait_in(c, k):
        sa, sb = in_slices(c)
        pltpu.make_async_copy(sa, bufA[k], insem[k]).wait()
        pltpu.make_async_copy(sb, bufB[k], insem[k]).wait()

    def start_out(c, k):
        pltpu.async_copy(
            outv[k], out_hbm.at[pl.ds(c * CHUNK_COLS, CHUNK_COLS)], outsem[k])

    def wait_out(c, k):
        pltpu.make_async_copy(
            outv[k], out_hbm.at[pl.ds(c * CHUNK_COLS, CHUNK_COLS)],
            outsem[k]).wait()

    ncw = CHUNKS_PER_WORKER
    cid = lambda i: wid + i * NUM_WORKERS

    for k in range(NBUF):
        start_in(cid(k), k)
    nquads = ncw // NBUF

    def quad_body(p, _):
        j0 = NBUF * p
        for k in range(NBUF):
            j = j0 + k
            wait_in(cid(j), k)

            @pl.when(p > 0)
            def _():
                wait_out(cid(j - NBUF), k)

            computes[k]()
            start_out(cid(j), k)

            @pl.when(j + NBUF < ncw)
            def _():
                start_in(cid(j + NBUF), k)

        return 0

    lax.fori_loop(0, nquads, quad_body, 0, unroll=False)
    for k in range(NBUF):
        wait_out(0, k)


def _tc_body(x_ref, u_ref, o_ref):
    prod = jax.lax.dot_general(
        u_ref[...], x_ref[...], (((1,), (0,)), ((), ())),
        preferred_element_type=jnp.float32,
    )
    o_ref[...] = prod.reshape(-1)


def kernel(items_emb, user_emb):
    items_t = items_emb.T

    mesh = plsc.VectorSubcoreMesh(
        core_axis_name="c", subcore_axis_name="s",
        num_cores=NUM_CORES, num_subcores=NUM_SUBCORES,
    )
    sc_run = pl.kernel(
        _sc_body,
        out_type=jax.ShapeDtypeStruct((SC_ROWS,), jnp.float32),
        mesh=mesh,
        compiler_params=pltpu.CompilerParams(
            needs_layout_passes=False, use_tc_tiling_on_sc=True,
        ),
        scratch_types=(
            [pltpu.VMEM((LANES,), jnp.float32)]
            + [pltpu.VMEM((8, CHUNK_COLS), jnp.float32)] * NBUF
            + [pltpu.VMEM((8, CHUNK_COLS), jnp.float32)] * NBUF
            + [pltpu.VMEM((CHUNK_COLS,), jnp.float32)] * NBUF
            + [pltpu.SemaphoreType.DMA] * NBUF
            + [pltpu.SemaphoreType.DMA] * NBUF
        ),
    )
    sc_out = sc_run(items_t, user_emb)

    n_tc_blocks = pl.cdiv(M_ROWS, TC_BLOCK) - TC_BLOCK0
    tc_full = pl.pallas_call(
        _tc_body,
        grid=(n_tc_blocks,),
        in_specs=[
            pl.BlockSpec((DIM, TC_BLOCK), lambda i: (0, TC_BLOCK0 + i)),
            pl.BlockSpec((1, DIM), lambda i: (0, 0)),
        ],
        out_specs=pl.BlockSpec((TC_BLOCK,), lambda i: (TC_BLOCK0 + i,)),
        out_shape=jax.ShapeDtypeStruct((M_ROWS,), jnp.float32),
    )(items_t, user_emb)

    return lax.dynamic_update_slice(tc_full, sc_out, (0,))

# --- scband reference (transcript-rebuilt; emitter-appended) ---
"""Pipeline reference for scband-fed-rec-client-63050119905435 (READ-ONLY COPY).

The authoritative reference and input builder live on the scoring server;
editing this copy changes nothing except your own understanding.
"""

import jax, jax.numpy as jnp
import numpy as np

M_ITEM = 1000000
DIM = 16


def setup_inputs(seed: int = 0) -> dict:
    key = jax.random.key(seed)
    k1, k2 = jax.random.split(key)
    items_emb = jax.random.normal(k1, (M_ITEM, DIM), dtype=jnp.float32)
    # learned parameter: user embedding, nn.Embedding(1, dim) init normal std=0.01
    user_emb = jax.random.normal(k2, (1, DIM), dtype=jnp.float32) * 0.01
    return {"items_emb": items_emb, "user_emb": user_emb}


def reference(items_emb, user_emb):
    # FedRecClient.forward: scores = sum(user_emb.weight * items_emb, dim=-1)
    scores = jnp.sum(user_emb * items_emb, axis=-1)
    return scores

if __name__ == "__main__":
    import jax
    _d = setup_inputs()
    print(jax.jit(kernel)(*tuple(_d.values())))

</pallas_src>

<mosaic_0001>
#map = affine_map<(d0, d1) -> (0, 0)>
#map1 = affine_map<(d0, d1) -> (0)>
module attributes {stable_mosaic.version = 14 : i64} {
  func.func @_sc_body(%arg0: i32, %arg1: i32, %arg2: memref<16x1000000xf32, #tpu.memory_space<hbm>>, %arg3: memref<1x16xf32, #tpu.memory_space<hbm>>, %arg4: memref<393216xf32, #tpu.memory_space<hbm>>, %arg5: memref<16xf32, #tpu.memory_space<vmem>>, %arg6: memref<8x1024xf32, #tpu.memory_space<vmem>>, %arg7: memref<8x1024xf32, #tpu.memory_space<vmem>>, %arg8: memref<8x1024xf32, #tpu.memory_space<vmem>>, %arg9: memref<8x1024xf32, #tpu.memory_space<vmem>>, %arg10: memref<8x1024xf32, #tpu.memory_space<vmem>>, %arg11: memref<8x1024xf32, #tpu.memory_space<vmem>>, %arg12: memref<8x1024xf32, #tpu.memory_space<vmem>>, %arg13: memref<8x1024xf32, #tpu.memory_space<vmem>>, %arg14: memref<1024xf32, #tpu.memory_space<vmem>>, %arg15: memref<1024xf32, #tpu.memory_space<vmem>>, %arg16: memref<1024xf32, #tpu.memory_space<vmem>>, %arg17: memref<1024xf32, #tpu.memory_space<vmem>>, %arg18: memref<!tpu.dma_semaphore, #tpu.memory_space<semaphore_mem>>, %arg19: memref<!tpu.dma_semaphore, #tpu.memory_space<semaphore_mem>>, %arg20: memref<!tpu.dma_semaphore, #tpu.memory_space<semaphore_mem>>, %arg21: memref<!tpu.dma_semaphore, #tpu.memory_space<semaphore_mem>>, %arg22: memref<!tpu.dma_semaphore, #tpu.memory_space<semaphore_mem>>, %arg23: memref<!tpu.dma_semaphore, #tpu.memory_space<semaphore_mem>>, %arg24: memref<!tpu.dma_semaphore, #tpu.memory_space<semaphore_mem>>, %arg25: memref<!tpu.dma_semaphore, #tpu.memory_space<semaphore_mem>>) attributes {dimension_semantics = [#tpu.dimension_semantics<core_parallel>, #tpu.dimension_semantics<subcore_parallel>], iteration_bounds = array<i64: 2, 16>, scalar_prefetch = 0 : i64, scratch_operands = 21 : i64, tpu.core_type = #tpu.core_type<sc_vector_subcore>, window_params = [{transform_indices = #map}, {transform_indices = #map}, {transform_indices = #map1}]} {
    %mul3A = arith.constant 2 : i32
    %mul3A_0 = arith.muli %arg1, %mul3A : i32
    %add3A = arith.addi %mul3A_0, %arg0 : i32
    %run_scoped3A = arith.constant 0 : i32
    "tpu.region"() ({
      %run_scoped3A_147 = tpu.sem_alloc : memref<!tpu.dma_semaphore, #tpu.memory_space<semaphore_mem>>
      %dma_start3A_148 = arith.constant 0 : i32
      %dma_start3A_149 = tpu.memref_slice %arg3[%run_scoped3A, %dma_start3A_148] : memref<1x16xf32, #tpu.memory_space<hbm>> -> memref<1x16xf32, #tpu.memory_space<hbm>>
      %dma_start3A_150 = tpu.memref_squeeze %dma_start3A_149 : memref<1x16xf32, #tpu.memory_space<hbm>> -> memref<16xf32, #tpu.memory_space<hbm>>
      %dma_start3A_151 = arith.constant 0 : i32
      %dma_start3A_152 = tpu.memref_slice %arg3[%run_scoped3A, %dma_start3A_151] : memref<1x16xf32, #tpu.memory_space<hbm>> -> memref<1x16xf32, #tpu.memory_space<hbm>>
      %dma_start3A_153 = tpu.memref_squeeze %dma_start3A_152 : memref<1x16xf32, #tpu.memory_space<hbm>> -> memref<16xf32, #tpu.memory_space<hbm>>
      tpu.enqueue_dma source(%dma_start3A_153 : memref<16xf32, #tpu.memory_space<hbm>>) target(%arg5 : memref<16xf32, #tpu.memory_space<vmem>>) target_semaphore(%run_scoped3A_147 : memref<!tpu.dma_semaphore, #tpu.memory_space<semaphore_mem>>)
      %dma_wait3A_154 = arith.constant 0 : i32
      %dma_wait3A_155 = tpu.memref_slice %arg3[%run_scoped3A, %dma_wait3A_154] : memref<1x16xf32, #tpu.memory_space<hbm>> -> memref<1x16xf32, #tpu.memory_space<hbm>>
      %dma_wait3A_156 = tpu.memref_squeeze %dma_wait3A_155 : memref<1x16xf32, #tpu.memory_space<hbm>> -> memref<16xf32, #tpu.memory_space<hbm>>
      %dma_wait3A_157 = arith.constant 0 : i32
      %dma_wait3A_158 = tpu.memref_slice %arg3[%run_scoped3A, %dma_wait3A_157] : memref<1x16xf32, #tpu.memory_space<hbm>> -> memref<1x16xf32, #tpu.memory_space<hbm>>
      %dma_wait3A_159 = tpu.memref_squeeze %dma_wait3A_158 : memref<1x16xf32, #tpu.memory_space<hbm>> -> memref<16xf32, #tpu.memory_space<hbm>>
      tpu.wait_dma2 semaphore(%run_scoped3A_147 : memref<!tpu.dma_semaphore, #tpu.memory_space<semaphore_mem>>) src(%dma_wait3A_159 : memref<16xf32, #tpu.memory_space<hbm>>) dst(%arg5 : memref<16xf32, #tpu.memory_space<vmem>>)
      tpu.yield
    }) : () -> ()
    %get3A = arith.constant 0 : index
    %get3A_1 = tpu.vector_load %arg5[%get3A] {strides = array<i32>} : memref<16xf32, #tpu.memory_space<vmem>>, vector<16xf32>,
    %broadcast_in_dim3A = arith.constant 0 : i32
    %broadcast_in_dim3A_2 = vector.broadcast %broadcast_in_dim3A : i32 to vector<16xi32>
    %reshape3A = vector.shape_cast %broadcast_in_dim3A_2 : vector<16xi32> to vector<16x1xi32>
    %gather3A = vector.shape_cast %reshape3A : vector<16x1xi32> to vector<16xi32>
    %gather3A_3 = tpu.dynamic_gather %get3A_1[%gather3A] in [0] : vector<16xf32>, vector<16xi32> -> vector<16xf32>
    %broadcast_in_dim3A_4 = arith.constant 1 : i32
    %broadcast_in_dim3A_5 = vector.broadcast %broadcast_in_dim3A_4 : i32 to vector<16xi32>
    %reshape3A_6 = vector.shape_cast %broadcast_in_dim3A_5 : vector<16xi32> to vector<16x1xi32>
    %gather3A_7 = vector.shape_cast %reshape3A_6 : vector<16x1xi32> to vector<16xi32>
    %gather3A_8 = tpu.dynamic_gather %get3A_1[%gather3A_7] in [0] : vector<16xf32>, vector<16xi32> -> vector<16xf32>
    %broadcast_in_dim3A_9 = arith.constant 2 : i32
    %broadcast_in_dim3A_10 = vector.broadcast %broadcast_in_dim3A_9 : i32 to vector<16xi32>
    %reshape3A_11 = vector.shape_cast %broadcast_in_dim3A_10 : vector<16xi32> to vector<16x1xi32>
    %gather3A_12 = vector.shape_cast %reshape3A_11 : vector<16x1xi32> to vector<16xi32>
    %gather3A_13 = tpu.dynamic_gather %get3A_1[%gather3A_12] in [0] : vector<16xf32>, vector<16xi32> -> vector<16xf32>
    %broadcast_in_dim3A_14 = arith.constant 3 : i32
    %broadcast_in_dim3A_15 = vector.broadcast %broadcast_in_dim3A_14 : i32 to vector<16xi32>
    %reshape3A_16 = vector.shape_cast %broadcast_in_dim3A_15 : vector<16xi32> to vector<16x1xi32>
    %gather3A_17 = vector.shape_cast %reshape3A_16 : vector<16x1xi32> to vector<16xi32>
    %gather3A_18 = tpu.dynamic_gather %get3A_1[%gather3A_17] in [0] : vector<16xf32>, vector<16xi32> -> vector<16xf32>
    %broadcast_in_dim3A_19 = arith.constant 4 : i32
    %broadcast_in_dim3A_20 = vector.broadcast %broadcast_in_dim3A_19 : i32 to vector<16xi32>
    %reshape3A_21 = vector.shape_cast %broadcast_in_dim3A_20 : vector<16xi32> to vector<16x1xi32>
    %gather3A_22 = vector.shape_cast %reshape3A_21 : vector<16x1xi32> to vector<16xi32>
    %gather3A_23 = tpu.dynamic_gather %get3A_1[%gather3A_22] in [0] : vector<16xf32>, vector<16xi32> -> vector<16xf32>
    %broadcast_in_dim3A_24 = arith.constant 5 : i32
    %broadcast_in_dim3A_25 = vector.broadcast %broadcast_in_dim3A_24 : i32 to vector<16xi32>
    %reshape3A_26 = vector.shape_cast %broadcast_in_dim3A_25 : vector<16xi32> to vector<16x1xi32>
    %gather3A_27 = vector.shape_cast %reshape3A_26 : vector<16x1xi32> to vector<16xi32>
    %gather3A_28 = tpu.dynamic_gather %get3A_1[%gather3A_27] in [0] : vector<16xf32>, vector<16xi32> -> vector<16xf32>
    %broadcast_in_dim3A_29 = arith.constant 6 : i32
    %broadcast_in_dim3A_30 = vector.broadcast %broadcast_in_dim3A_29 : i32 to vector<16xi32>
    %reshape3A_31 = vector.shape_cast %broadcast_in_dim3A_30 : vector<16xi32> to vector<16x1xi32>
    %gather3A_32 = vector.shape_cast %reshape3A_31 : vector<16x1xi32> to vector<16xi32>
    %gather3A_33 = tpu.dynamic_gather %get3A_1[%gather3A_32] in [0] : vector<16xf32>, vector<16xi32> -> vector<16xf32>
    %broadcast_in_dim3A_34 = arith.constant 7 : i32
    %broadcast_in_dim3A_35 = vector.broadcast %broadcast_in_dim3A_34 : i32 to vector<16xi32>
    %reshape3A_36 = vector.shape_cast %broadcast_in_dim3A_35 : vector<16xi32> to vector<16x1xi32>
    %gather3A_37 = vector.shape_cast %reshape3A_36 : vector<16x1xi32> to vector<16xi32>
    %gather3A_38 = tpu.dynamic_gather %get3A_1[%gather3A_37] in [0] : vector<16xf32>, vector<16xi32> -> vector<16xf32>
    %broadcast_in_dim3A_39 = arith.constant 8 : i32
    %broadcast_in_dim3A_40 = vector.broadcast %broadcast_in_dim3A_39 : i32 to vector<16xi32>
    %reshape3A_41 = vector.shape_cast %broadcast_in_dim3A_40 : vector<16xi32> to vector<16x1xi32>
    %gather3A_42 = vector.shape_cast %reshape3A_41 : vector<16x1xi32> to vector<16xi32>
    %gather3A_43 = tpu.dynamic_gather %get3A_1[%gather3A_42] in [0] : vector<16xf32>, vector<16xi32> -> vector<16xf32>
    %broadcast_in_dim3A_44 = arith.constant 9 : i32
    %broadcast_in_dim3A_45 = vector.broadcast %broadcast_in_dim3A_44 : i32 to vector<16xi32>
    %reshape3A_46 = vector.shape_cast %broadcast_in_dim3A_45 : vector<16xi32> to vector<16x1xi32>
    %gather3A_47 = vector.shape_cast %reshape3A_46 : vector<16x1xi32> to vector<16xi32>
    %gather3A_48 = tpu.dynamic_gather %get3A_1[%gather3A_47] in [0] : vector<16xf32>, vector<16xi32> -> vector<16xf32>
    %broadcast_in_dim3A_49 = arith.constant 10 : i32
    %broadcast_in_dim3A_50 = vector.broadcast %broadcast_in_dim3A_49 : i32 to vector<16xi32>
    %reshape3A_51 = vector.shape_cast %broadcast_in_dim3A_50 : vector<16xi32> to vector<16x1xi32>
    %gather3A_52 = vector.shape_cast %reshape3A_51 : vector<16x1xi32> to vector<16xi32>
    %gather3A_53 = tpu.dynamic_gather %get3A_1[%gather3A_52] in [0] : vector<16xf32>, vector<16xi32> -> vector<16xf32>
    %broadcast_in_dim3A_54 = arith.constant 11 : i32
    %broadcast_in_dim3A_55 = vector.broadcast %broadcast_in_dim3A_54 : i32 to vector<16xi32>
    %reshape3A_56 = vector.shape_cast %broadcast_in_dim3A_55 : vector<16xi32> to vector<16x1xi32>
    %gather3A_57 = vector.shape_cast %reshape3A_56 : vector<16x1xi32> to vector<16xi32>
    %gather3A_58 = tpu.dynamic_gather %get3A_1[%gather3A_57] in [0] : vector<16xf32>, vector<16xi32> -> vector<16xf32>
    %broadcast_in_dim3A_59 = arith.constant 12 : i32
    %broadcast_in_dim3A_60 = vector.broadcast %broadcast_in_dim3A_59 : i32 to vector<16xi32>
    %reshape3A_61 = vector.shape_cast %broadcast_in_dim3A_60 : vector<16xi32> to vector<16x1xi32>
    %gather3A_62 = vector.shape_cast %reshape3A_61 : vector<16x1xi32> to vector<16xi32>
    %gather3A_63 = tpu.dynamic_gather %get3A_1[%gather3A_62] in [0] : vector<16xf32>, vector<16xi32> -> vector<16xf32>
    %broadcast_in_dim3A_64 = arith.constant 13 : i32
    %broadcast_in_dim3A_65 = vector.broadcast %broadcast_in_dim3A_64 : i32 to vector<16xi32>
    %reshape3A_66 = vector.shape_cast %broadcast_in_dim3A_65 : vector<16xi32> to vector<16x1xi32>
    %gather3A_67 = vector.shape_cast %reshape3A_66 : vector<16x1xi32> to vector<16xi32>
    %gather3A_68 = tpu.dynamic_gather %get3A_1[%gather3A_67] in [0] : vector<16xf32>, vector<16xi32> -> vector<16xf32>
    %broadcast_in_dim3A_69 = arith.constant 14 : i32
    %broadcast_in_dim3A_70 = vector.broadcast %broadcast_in_dim3A_69 : i32 to vector<16xi32>
    %reshape3A_71 = vector.shape_cast %broadcast_in_dim3A_70 : vector<16xi32> to vector<16x1xi32>
    %gather3A_72 = vector.shape_cast %reshape3A_71 : vector<16x1xi32> to vector<16xi32>
    %gather3A_73 = tpu.dynamic_gather %get3A_1[%gather3A_72] in [0] : vector<16xf32>, vector<16xi32> -> vector<16xf32>
    %broadcast_in_dim3A_74 = arith.constant 15 : i32
    %broadcast_in_dim3A_75 = vector.broadcast %broadcast_in_dim3A_74 : i32 to vector<16xi32>
    %reshape3A_76 = vector.shape_cast %broadcast_in_dim3A_75 : vector<16xi32> to vector<16x1xi32>
    %gather3A_77 = vector.shape_cast %reshape3A_76 : vector<16x1xi32> to vector<16xi32>
    %gather3A_78 = tpu.dynamic_gather %get3A_1[%gather3A_77] in [0] : vector<16xf32>, vector<16xi32> -> vector<16xf32>
    %add3A_79 = arith.constant 0 : i32
    %add3A_80 = arith.addi %add3A, %add3A_79 : i32
    %mul3A_81 = arith.constant 1024 : i32
    %mul3A_82 = arith.muli %add3A_80, %mul3A_81 : i32
    %dma_start3A = arith.constant 0 : i32
    %dma_start3A_83 = tpu.memref_slice %arg2[%dma_start3A, %mul3A_82] : memref<16x1000000xf32, #tpu.memory_space<hbm>> -> memref<8x1024xf32, #tpu.memory_space<hbm>>
    %dma_start3A_84 = arith.constant 0 : i32
    %dma_start3A_85 = tpu.memref_slice %arg2[%dma_start3A_84, %mul3A_82] : memref<16x1000000xf32, #tpu.memory_space<hbm>> -> memref<8x1024xf32, #tpu.memory_space<hbm>>
    tpu.enqueue_dma source(%dma_start3A_85 : memref<8x1024xf32, #tpu.memory_space<hbm>>) target(%arg6 : memref<8x1024xf32, #tpu.memory_space<vmem>>) target_semaphore(%arg18 : memref<!tpu.dma_semaphore, #tpu.memory_space<semaphore_mem>>)
    %dma_start3A_86 = arith.constant 8 : i32
    %dma_start3A_87 = tpu.memref_slice %arg2[%dma_start3A_86, %mul3A_82] : memref<16x1000000xf32, #tpu.memory_space<hbm>> -> memref<8x1024xf32, #tpu.memory_space<hbm>>
    %dma_start3A_88 = arith.constant 8 : i32
    %dma_start3A_89 = tpu.memref_slice %arg2[%dma_start3A_88, %mul3A_82] : memref<16x1000000xf32, #tpu.memory_space<hbm>> -> memref<8x1024xf32, #tpu.memory_space<hbm>>
    tpu.enqueue_dma source(%dma_start3A_89 : memref<8x1024xf32, #tpu.memory_space<hbm>>) target(%arg10 : memref<8x1024xf32, #tpu.memory_space<vmem>>) target_semaphore(%arg18 : memref<!tpu.dma_semaphore, #tpu.memory_space<semaphore_mem>>)
    %add3A_90 = arith.constant 32 : i32
    %add3A_91 = arith.addi %add3A, %add3A_90 : i32
    %mul3A_92 = arith.constant 1024 : i32
    %mul3A_93 = arith.muli %add3A_91, %mul3A_92 : i32
    %dma_start3A_94 = arith.constant 0 : i32
    %dma_start3A_95 = tpu.memref_slice %arg2[%dma_start3A_94, %mul3A_93] : memref<16x1000000xf32, #tpu.memory_space<hbm>> -> memref<8x1024xf32, #tpu.memory_space<hbm>>
    %dma_start3A_96 = arith.constant 0 : i32
    %dma_start3A_97 = tpu.memref_slice %arg2[%dma_start3A_96, %mul3A_93] : memref<16x1000000xf32, #tpu.memory_space<hbm>> -> memref<8x1024xf32, #tpu.memory_space<hbm>>
    tpu.enqueue_dma source(%dma_start3A_97 : memref<8x1024xf32, #tpu.memory_space<hbm>>) target(%arg7 : memref<8x1024xf32, #tpu.memory_space<vmem>>) target_semaphore(%arg19 : memref<!tpu.dma_semaphore, #tpu.memory_space<semaphore_mem>>)
    %dma_start3A_98 = arith.constant 8 : i32
    %dma_start3A_99 = tpu.memref_slice %arg2[%dma_start3A_98, %mul3A_93] : memref<16x1000000xf32, #tpu.memory_space<hbm>> -> memref<8x1024xf32, #tpu.memory_space<hbm>>
    %dma_start3A_100 = arith.constant 8 : i32
    %dma_start3A_101 = tpu.memref_slice %arg2[%dma_start3A_100, %mul3A_93] : memref<16x1000000xf32, #tpu.memory_space<hbm>> -> memref<8x1024xf32, #tpu.memory_space<hbm>>
    tpu.enqueue_dma source(%dma_start3A_101 : memref<8x1024xf32, #tpu.memory_space<hbm>>) target(%arg11 : memref<8x1024xf32, #tpu.memory_space<vmem>>) target_semaphore(%arg19 : memref<!tpu.dma_semaphore, #tpu.memory_space<semaphore_mem>>)
    %add3A_102 = arith.constant 64 : i32
    %add3A_103 = arith.addi %add3A, %add3A_102 : i32
    %mul3A_104 = arith.constant 1024 : i32
    %mul3A_105 = arith.muli %add3A_103, %mul3A_104 : i32
    %dma_start3A_106 = arith.constant 0 : i32
    %dma_start3A_107 = tpu.memref_slice %arg2[%dma_start3A_106, %mul3A_105] : memref<16x1000000xf32, #tpu.memory_space<hbm>> -> memref<8x1024xf32, #tpu.memory_space<hbm>>
    %dma_start3A_108 = arith.constant 0 : i32
    %dma_start3A_109 = tpu.memref_slice %arg2[%dma_start3A_108, %mul3A_105] : memref<16x1000000xf32, #tpu.memory_space<hbm>> -> memref<8x1024xf32, #tpu.memory_space<hbm>>
    tpu.enqueue_dma source(%dma_start3A_109 : memref<8x1024xf32, #tpu.memory_space<hbm>>) target(%arg8 : memref<8x1024xf32, #tpu.memory_space<vmem>>) target_semaphore(%arg20 : memref<!tpu.dma_semaphore, #tpu.memory_space<semaphore_mem>>)
    %dma_start3A_110 = arith.constant 8 : i32
    %dma_start3A_111 = tpu.memref_slice %arg2[%dma_start3A_110, %mul3A_105] : memref<16x1000000xf32, #tpu.memory_space<hbm>> -> memref<8x1024xf32, #tpu.memory_space<hbm>>
    %dma_start3A_112 = arith.constant 8 : i32
    %dma_start3A_113 = tpu.memref_slice %arg2[%dma_start3A_112, %mul3A_105] : memref<16x1000000xf32, #tpu.memory_space<hbm>> -> memref<8x1024xf32, #tpu.memory_space<hbm>>
    tpu.enqueue_dma source(%dma_start3A_113 : memref<8x1024xf32, #tpu.memory_space<hbm>>) target(%arg12 : memref<8x1024xf32, #tpu.memory_space<vmem>>) target_semaphore(%arg20 : memref<!tpu.dma_semaphore, #tpu.memory_space<semaphore_mem>>)
    %add3A_114 = arith.constant 96 : i32
    %add3A_115 = arith.addi %add3A, %add3A_114 : i32
    %mul3A_116 = arith.constant 1024 : i32
    %mul3A_117 = arith.muli %add3A_115, %mul3A_116 : i32
    %dma_start3A_118 = arith.constant 0 : i32
    %dma_start3A_119 = tpu.memref_slice %arg2[%dma_start3A_118, %mul3A_117] : memref<16x1000000xf32, #tpu.memory_space<hbm>> -> memref<8x1024xf32, #tpu.memory_space<hbm>>
    %dma_start3A_120 = arith.constant 0 : i32
    %dma_start3A_121 = tpu.memref_slice %arg2[%dma_start3A_120, %mul3A_117] : memref<16x1000000xf32, #tpu.memory_space<hbm>> -> memref<8x1024xf32, #tpu.memory_space<hbm>>
    tpu.enqueue_dma source(%dma_start3A_121 : memref<8x1024xf32, #tpu.memory_space<hbm>>) target(%arg9 : memref<8x1024xf32, #tpu.memory_space<vmem>>) target_semaphore(%arg21 : memref<!tpu.dma_semaphore, #tpu.memory_space<semaphore_mem>>)
    %dma_start3A_122 = arith.constant 8 : i32
    %dma_start3A_123 = tpu.memref_slice %arg2[%dma_start3A_122, %mul3A_117] : memref<16x1000000xf32, #tpu.memory_space<hbm>> -> memref<8x1024xf32, #tpu.memory_space<hbm>>
    %dma_start3A_124 = arith.constant 8 : i32
    %dma_start3A_125 = tpu.memref_slice %arg2[%dma_start3A_124, %mul3A_117] : memref<16x1000000xf32, #tpu.memory_space<hbm>> -> memref<8x1024xf32, #tpu.memory_space<hbm>>
    tpu.enqueue_dma source(%dma_start3A_125 : memref<8x1024xf32, #tpu.memory_space<hbm>>) target(%arg13 : memref<8x1024xf32, #tpu.memory_space<vmem>>) target_semaphore(%arg21 : memref<!tpu.dma_semaphore, #tpu.memory_space<semaphore_mem>>)
    %scan3A = arith.constant 0 : i32
    %scan3A_126 = arith.constant 0 : i32
    %scan3A_127 = arith.constant 3 : i32
    %scan3A_128 = arith.addi %scan3A_126, %scan3A_127 : i32
    %scan3A_129 = arith.constant 1 : i32
    %scan3A_130 = scf.for %scan3A_147 = %scan3A_126 to %scan3A_128 step %scan3A_129 iter_args(%scan3A_148 = %scan3A) -> (i32)  : i32 {
      %mul3A_149 = arith.constant 4 : i32
      %mul3A_150 = arith.muli %mul3A_149, %scan3A_147 : i32
      %add3A_151 = arith.constant 0 : i32
      %add3A_152 = arith.addi %mul3A_150, %add3A_151 : i32
      %mul3A_153 = arith.constant 32 : i32
      %mul3A_154 = arith.muli %add3A_152, %mul3A_153 : i32
      %add3A_155 = arith.addi %add3A, %mul3A_154 : i32
      %mul3A_156 = arith.constant 1024 : i32
      %mul3A_157 = arith.muli %add3A_155, %mul3A_156 : i32
      %dma_wait3A_158 = arith.constant 0 : i32
      %dma_wait3A_159 = tpu.memref_slice %arg2[%dma_wait3A_158, %mul3A_157] : memref<16x1000000xf32, #tpu.memory_space<hbm>> -> memref<8x1024xf32, #tpu.memory_space<hbm>>
      %dma_wait3A_160 = arith.constant 0 : i32
      %dma_wait3A_161 = tpu.memref_slice %arg2[%dma_wait3A_160, %mul3A_157] : memref<16x1000000xf32, #tpu.memory_space<hbm>> -> memref<8x1024xf32, #tpu.memory_space<hbm>>
      tpu.wait_dma2 semaphore(%arg18 : memref<!tpu.dma_semaphore, #tpu.memory_space<semaphore_mem>>) src(%dma_wait3A_161 : memref<8x1024xf32, #tpu.memory_space<hbm>>) dst(%arg6 : memref<8x1024xf32, #tpu.memory_space<vmem>>)
      %dma_wait3A_162 = arith.constant 8 : i32
      %dma_wait3A_163 = tpu.memref_slice %arg2[%dma_wait3A_162, %mul3A_157] : memref<16x1000000xf32, #tpu.memory_space<hbm>> -> memref<8x1024xf32, #tpu.memory_space<hbm>>
      %dma_wait3A_164 = arith.constant 8 : i32
      %dma_wait3A_165 = tpu.memref_slice %arg2[%dma_wait3A_164, %mul3A_157] : memref<16x1000000xf32, #tpu.memory_space<hbm>> -> memref<8x1024xf32, #tpu.memory_space<hbm>>
      tpu.wait_dma2 semaphore(%arg18 : memref<!tpu.dma_semaphore, #tpu.memory_space<semaphore_mem>>) src(%dma_wait3A_165 : memref<8x1024xf32, #tpu.memory_space<hbm>>) dst(%arg10 : memref<8x1024xf32, #tpu.memory_space<vmem>>)
      %gt3A = arith.constant 0 : i32
      %gt3A_166 = arith.cmpi sgt, %scan3A_147, %gt3A : i32
      %convert_element_type3A = arith.extui %gt3A_166 : i1 to i32
      %cond3A = arith.constant 0 : i32
      %cond3A_167 = arith.cmpi ne, %convert_element_type3A, %cond3A : i32
      scf.if %cond3A_167 {
        %sub3A = arith.constant 4 : i32
        %sub3A_312 = arith.subi %add3A_152, %sub3A : i32
        %mul3A_313 = arith.constant 32 : i32
        %mul3A_314 = arith.muli %sub3A_312, %mul3A_313 : i32
        %add3A_315 = arith.addi %add3A, %mul3A_314 : i32
        %mul3A_316 = arith.constant 1024 : i32
        %mul3A_317 = arith.muli %add3A_315, %mul3A_316 : i32
        %dma_wait3A_318 = tpu.memref_slice %arg4[%mul3A_317] : memref<393216xf32, #tpu.memory_space<hbm>> -> memref<1024xf32, #tpu.memory_space<hbm>>
        %dma_wait3A_319 = tpu.memref_slice %arg4[%mul3A_317] : memref<393216xf32, #tpu.memory_space<hbm>> -> memref<1024xf32, #tpu.memory_space<hbm>>
        tpu.wait_dma2 semaphore(%arg22 : memref<!tpu.dma_semaphore, #tpu.memory_space<semaphore_mem>>) src(%arg14 : memref<1024xf32, #tpu.memory_space<vmem>>) dst(%dma_wait3A_319 : memref<1024xf32, #tpu.memory_space<hbm>>)
      } else {
      }
      %scan3A_168 = arith.constant 0 : i32
      %scan3A_169 = arith.constant 0 : i32
      %scan3A_170 = arith.constant 64 : i32
      %scan3A_171 = arith.addi %scan3A_169, %scan3A_170 : i32
      %scan3A_172 = arith.constant 1 : i32
      %scan3A_173 = scf.for %scan3A_312 = %scan3A_169 to %scan3A_171 step %scan3A_172 iter_args(%scan3A_313 = %scan3A_168) -> (i32)  : i32 {
        %mul3A_314 = arith.constant 16 : i32
        %mul3A_315 = arith.muli %scan3A_312, %mul3A_314 : i32
        %get3A_316 = arith.constant 0 : i32
        %get3A_317 = arith.index_cast %get3A_316 : i32 to index
        %get3A_318 = arith.index_cast %mul3A_315 : i32 to index
        %get3A_319 = tpu.vector_load %arg6[%get3A_317, %get3A_318] {strides = array<i32>} : memref<8x1024xf32, #tpu.memory_space<vmem>>, vector<16xf32>,
        %mul3A_320 = arith.mulf %get3A_319, %gather3A_3 : vector<16xf32>
        %get3A_321 = arith.constant 1 : i32
        %get3A_322 = arith.index_cast %get3A_321 : i32 to index
        %get3A_323 = arith.index_cast %mul3A_315 : i32 to index
        %get3A_324 = tpu.vector_load %arg6[%get3A_322, %get3A_323] {strides = array<i32>} : memref<8x1024xf32, #tpu.memory_space<vmem>>, vector<16xf32>,
        %mul3A_325 = arith.mulf %get3A_324, %gather3A_8 : vector<16xf32>
        %add3A_326 = arith.addf %mul3A_320, %mul3A_325 : vector<16xf32>
        %get3A_327 = arith.constant 2 : i32
        %get3A_328 = arith.index_cast %get3A_327 : i32 to index
        %get3A_329 = arith.index_cast %mul3A_315 : i32 to index
        %get3A_330 = tpu.vector_load %arg6[%get3A_328, %get3A_329] {strides = array<i32>} : memref<8x1024xf32, #tpu.memory_space<vmem>>, vector<16xf32>,
        %mul3A_331 = arith.mulf %get3A_330, %gather3A_13 : vector<16xf32>
        %add3A_332 = arith.addf %add3A_326, %mul3A_331 : vector<16xf32>
        %get3A_333 = arith.constant 3 : i32
        %get3A_334 = arith.index_cast %get3A_333 : i32 to index
        %get3A_335 = arith.index_cast %mul3A_315 : i32 to index
        %get3A_336 = tpu.vector_load %arg6[%get3A_334, %get3A_335] {strides = array<i32>} : memref<8x1024xf32, #tpu.memory_space<vmem>>, vector<16xf32>,
        %mul3A_337 = arith.mulf %get3A_336, %gather3A_18 : vector<16xf32>
        %add3A_338 = arith.addf %add3A_332, %mul3A_337 : vector<16xf32>
        %get3A_339 = arith.constant 4 : i32
        %get3A_340 = arith.index_cast %get3A_339 : i32 to index
        %get3A_341 = arith.index_cast %mul3A_315 : i32 to index
        %get3A_342 = tpu.vector_load %arg6[%get3A_340, %get3A_341] {strides = array<i32>} : memref<8x1024xf32, #tpu.memory_space<vmem>>, vector<16xf32>,
        %mul3A_343 = arith.mulf %get3A_342, %gather3A_23 : vector<16xf32>
        %add3A_344 = arith.addf %add3A_338, %mul3A_343 : vector<16xf32>
        %get3A_345 = arith.constant 5 : i32
        %get3A_346 = arith.index_cast %get3A_345 : i32 to index
        %get3A_347 = arith.index_cast %mul3A_315 : i32 to index
        %get3A_348 = tpu.vector_load %arg6[%get3A_346, %get3A_347] {strides = array<i32>} : memref<8x1024xf32, #tpu.memory_space<vmem>>, vector<16xf32>,
        %mul3A_349 = arith.mulf %get3A_348, %gather3A_28 : vector<16xf32>
        %add3A_350 = arith.addf %add3A_344, %mul3A_349 : vector<16xf32>
        %get3A_351 = arith.constant 6 : i32
        %get3A_352 = arith.index_cast %get3A_351 : i32 to index
        %get3A_353 = arith.index_cast %mul3A_315 : i32 to index
        %get3A_354 = tpu.vector_load %arg6[%get3A_352, %get3A_353] {strides = array<i32>} : memref<8x1024xf32, #tpu.memory_space<vmem>>, vector<16xf32>,
        %mul3A_355 = arith.mulf %get3A_354, %gather3A_33 : vector<16xf32>
        %add3A_356 = arith.addf %add3A_350, %mul3A_355 : vector<16xf32>
        %get3A_357 = arith.constant 7 : i32
        %get3A_358 = arith.index_cast %get3A_357 : i32 to index
        %get3A_359 = arith.index_cast %mul3A_315 : i32 to index
        %get3A_360 = tpu.vector_load %arg6[%get3A_358, %get3A_359] {strides = array<i32>} : memref<8x1024xf32, #tpu.memory_space<vmem>>, vector<16xf32>,
        %mul3A_361 = arith.mulf %get3A_360, %gather3A_38 : vector<16xf32>
        %add3A_362 = arith.addf %add3A_356, %mul3A_361 : vector<16xf32>
        %get3A_363 = arith.constant 0 : i32
        %get3A_364 = arith.index_cast %get3A_363 : i32 to index
        %get3A_365 = arith.index_cast %mul3A_315 : i32 to index
        %get3A_366 = tpu.vector_load %arg10[%get3A_364, %get3A_365] {strides = array<i32>} : memref<8x1024xf32, #tpu.memory_space<vmem>>, vector<16xf32>,
        %mul3A_367 = arith.mulf %get3A_366, %gather3A_43 : vector<16xf32>
        %add3A_368 = arith.addf %add3A_362, %mul3A_367 : vector<16xf32>
        %get3A_369 = arith.constant 1 : i32
        %get3A_370 = arith.index_cast %get3A_369 : i32 to index
        %get3A_371 = arith.index_cast %mul3A_315 : i32 to index
        %get3A_372 = tpu.vector_load %arg10[%get3A_370, %get3A_371] {strides = array<i32>} : memref<8x1024xf32, #tpu.memory_space<vmem>>, vector<16xf32>,
        %mul3A_373 = arith.mulf %get3A_372, %gather3A_48 : vector<16xf32>
        %add3A_374 = arith.addf %add3A_368, %mul3A_373 : vector<16xf32>
        %get3A_375 = arith.constant 2 : i32
        %get3A_376 = arith.index_cast %get3A_375 : i32 to index
        %get3A_377 = arith.index_cast %mul3A_315 : i32 to index
        %get3A_378 = tpu.vector_load %arg10[%get3A_376, %get3A_377] {strides = array<i32>} : memref<8x1024xf32, #tpu.memory_space<vmem>>, vector<16xf32>,
        %mul3A_379 = arith.mulf %get3A_378, %gather3A_53 : vector<16xf32>
        %add3A_380 = arith.addf %add3A_374, %mul3A_379 : vector<16xf32>
        %get3A_381 = arith.constant 3 : i32
        %get3A_382 = arith.index_cast %get3A_381 : i32 to index
        %get3A_383 = arith.index_cast %mul3A_315 : i32 to index
        %get3A_384 = tpu.vector_load %arg10[%get3A_382, %get3A_383] {strides = array<i32>} : memref<8x1024xf32, #tpu.memory_space<vmem>>, vector<16xf32>,
        %mul3A_385 = arith.mulf %get3A_384, %gather3A_58 : vector<16xf32>
        %add3A_386 = arith.addf %add3A_380, %mul3A_385 : vector<16xf32>
        %get3A_387 = arith.constant 4 : i32
        %get3A_388 = arith.index_cast %get3A_387 : i32 to index
        %get3A_389 = arith.index_cast %mul3A_315 : i32 to index
        %get3A_390 = tpu.vector_load %arg10[%get3A_388, %get3A_389] {strides = array<i32>} : memref<8x1024xf32, #tpu.memory_space<vmem>>, vector<16xf32>,
        %mul3A_391 = arith.mulf %get3A_390, %gather3A_63 : vector<16xf32>
        %add3A_392 = arith.addf %add3A_386, %mul3A_391 : vector<16xf32>
        %get3A_393 = arith.constant 5 : i32
        %get3A_394 = arith.index_cast %get3A_393 : i32 to index
        %get3A_395 = arith.index_cast %mul3A_315 : i32 to index
        %get3A_396 = tpu.vector_load %arg10[%get3A_394, %get3A_395] {strides = array<i32>} : memref<8x1024xf32, #tpu.memory_space<vmem>>, vector<16xf32>,
        %mul3A_397 = arith.mulf %get3A_396, %gather3A_68 : vector<16xf32>
        %add3A_398 = arith.addf %add3A_392, %mul3A_397 : vector<16xf32>
        %get3A_399 = arith.constant 6 : i32
        %get3A_400 = arith.index_cast %get3A_399 : i32 to index
        %get3A_401 = arith.index_cast %mul3A_315 : i32 to index
        %get3A_402 = tpu.vector_load %arg10[%get3A_400, %get3A_401] {strides = array<i32>} : memref<8x1024xf32, #tpu.memory_space<vmem>>, vector<16xf32>,
        %mul3A_403 = arith.mulf %get3A_402, %gather3A_73 : vector<16xf32>
        %add3A_404 = arith.addf %add3A_398, %mul3A_403 : vector<16xf32>
        %get3A_405 = arith.constant 7 : i32
        %get3A_406 = arith.index_cast %get3A_405 : i32 to index
        %get3A_407 = arith.index_cast %mul3A_315 : i32 to index
        %get3A_408 = tpu.vector_load %arg10[%get3A_406, %get3A_407] {strides = array<i32>} : memref<8x1024xf32, #tpu.memory_space<vmem>>, vector<16xf32>,
        %mul3A_409 = arith.mulf %get3A_408, %gather3A_78 : vector<16xf32>
        %add3A_410 = arith.addf %add3A_404, %mul3A_409 : vector<16xf32>
        %swap3A = arith.index_cast %mul3A_315 : i32 to index
        %swap3A_411 = tpu.vector_load %arg14[%swap3A] {strides = array<i32>} : memref<1024xf32, #tpu.memory_space<vmem>>, vector<16xf32>,
        tpu.vector_store %arg14[%swap3A], %add3A_410 {strides = array<i32>} : memref<1024xf32, #tpu.memory_space<vmem>>, vector<16xf32>,
        %scan3A_412 = arith.constant 0 : i32
        scf.yield %scan3A_412 : i32
      }
      %scan3A_174 = arith.constant 64 : i32
      %mul3A_175 = arith.constant 32 : i32
      %mul3A_176 = arith.muli %add3A_152, %mul3A_175 : i32
      %add3A_177 = arith.addi %add3A, %mul3A_176 : i32
      %mul3A_178 = arith.constant 1024 : i32
      %mul3A_179 = arith.muli %add3A_177, %mul3A_178 : i32
      %dma_start3A_180 = tpu.memref_slice %arg4[%mul3A_179] : memref<393216xf32, #tpu.memory_space<hbm>> -> memref<1024xf32, #tpu.memory_space<hbm>>
      %dma_start3A_181 = tpu.memref_slice %arg4[%mul3A_179] : memref<393216xf32, #tpu.memory_space<hbm>> -> memref<1024xf32, #tpu.memory_space<hbm>>
      tpu.enqueue_dma source(%arg14 : memref<1024xf32, #tpu.memory_space<vmem>>) target(%dma_start3A_181 : memref<1024xf32, #tpu.memory_space<hbm>>) target_semaphore(%arg22 : memref<!tpu.dma_semaphore, #tpu.memory_space<semaphore_mem>>)
      %add3A_182 = arith.constant 4 : i32
      %add3A_183 = arith.addi %add3A_152, %add3A_182 : i32
      %lt3A = arith.constant 12 : i32
      %lt3A_184 = arith.cmpi slt, %add3A_183, %lt3A : i32
      %convert_element_type3A_185 = arith.extui %lt3A_184 : i1 to i32
      %cond3A_186 = arith.constant 0 : i32
      %cond3A_187 = arith.cmpi ne, %convert_element_type3A_185, %cond3A_186 : i32
      scf.if %cond3A_187 {
        %add3A_312 = arith.constant 4 : i32
        %add3A_313 = arith.addi %add3A_152, %add3A_312 : i32
        %mul3A_314 = arith.constant 32 : i32
        %mul3A_315 = arith.muli %add3A_313, %mul3A_314 : i32
        %add3A_316 = arith.addi %add3A, %mul3A_315 : i32
        %mul3A_317 = arith.constant 1024 : i32
        %mul3A_318 = arith.muli %add3A_316, %mul3A_317 : i32
        %dma_start3A_319 = arith.constant 0 : i32
        %dma_start3A_320 = tpu.memref_slice %arg2[%dma_start3A_319, %mul3A_318] : memref<16x1000000xf32, #tpu.memory_space<hbm>> -> memref<8x1024xf32, #tpu.memory_space<hbm>>
        %dma_start3A_321 = arith.constant 0 : i32
        %dma_start3A_322 = tpu.memref_slice %arg2[%dma_start3A_321, %mul3A_318] : memref<16x1000000xf32, #tpu.memory_space<hbm>> -> memref<8x1024xf32, #tpu.memory_space<hbm>>
        tpu.enqueue_dma source(%dma_start3A_322 : memref<8x1024xf32, #tpu.memory_space<hbm>>) target(%arg6 : memref<8x1024xf32, #tpu.memory_space<vmem>>) target_semaphore(%arg18 : memref<!tpu.dma_semaphore, #tpu.memory_space<semaphore_mem>>)
        %dma_start3A_323 = arith.constant 8 : i32
        %dma_start3A_324 = tpu.memref_slice %arg2[%dma_start3A_323, %mul3A_318] : memref<16x1000000xf32, #tpu.memory_space<hbm>> -> memref<8x1024xf32, #tpu.memory_space<hbm>>
        %dma_start3A_325 = arith.constant 8 : i32
        %dma_start3A_326 = tpu.memref_slice %arg2[%dma_start3A_325, %mul3A_318] : memref<16x1000000xf32, #tpu.memory_space<hbm>> -> memref<8x1024xf32, #tpu.memory_space<hbm>>
        tpu.enqueue_dma source(%dma_start3A_326 : memref<8x1024xf32, #tpu.memory_space<hbm>>) target(%arg10 : memref<8x1024xf32, #tpu.memory_space<vmem>>) target_semaphore(%arg18 : memref<!tpu.dma_semaphore, #tpu.memory_space<semaphore_mem>>)
      } else {
      }
      %add3A_188 = arith.constant 1 : i32
      %add3A_189 = arith.addi %mul3A_150, %add3A_188 : i32
      %mul3A_190 = arith.constant 32 : i32
      %mul3A_191 = arith.muli %add3A_189, %mul3A_190 : i32
      %add3A_192 = arith.addi %add3A, %mul3A_191 : i32
      %mul3A_193 = arith.constant 1024 : i32
      %mul3A_194 = arith.muli %add3A_192, %mul3A_193 : i32
      %dma_wait3A_195 = arith.constant 0 : i32
      %dma_wait3A_196 = tpu.memref_slice %arg2[%dma_wait3A_195, %mul3A_194] : memref<16x1000000xf32, #tpu.memory_space<hbm>> -> memref<8x1024xf32, #tpu.memory_space<hbm>>
      %dma_wait3A_197 = arith.constant 0 : i32
      %dma_wait3A_198 = tpu.memref_slice %arg2[%dma_wait3A_197, %mul3A_194] : memref<16x1000000xf32, #tpu.memory_space<hbm>> -> memref<8x1024xf32, #tpu.memory_space<hbm>>
      tpu.wait_dma2 semaphore(%arg19 : memref<!tpu.dma_semaphore, #tpu.memory_space<semaphore_mem>>) src(%dma_wait3A_198 : memref<8x1024xf32, #tpu.memory_space<hbm>>) dst(%arg7 : memref<8x1024xf32, #tpu.memory_space<vmem>>)
      %dma_wait3A_199 = arith.constant 8 : i32
      %dma_wait3A_200 = tpu.memref_slice %arg2[%dma_wait3A_199, %mul3A_194] : memref<16x1000000xf32, #tpu.memory_space<hbm>> -> memref<8x1024xf32, #tpu.memory_space<hbm>>
      %dma_wait3A_201 = arith.constant 8 : i32
      %dma_wait3A_202 = tpu.memref_slice %arg2[%dma_wait3A_201, %mul3A_194] : memref<16x1000000xf32, #tpu.memory_space<hbm>> -> memref<8x1024xf32, #tpu.memory_space<hbm>>
      tpu.wait_dma2 semaphore(%arg19 : memref<!tpu.dma_semaphore, #tpu.memory_space<semaphore_mem>>) src(%dma_wait3A_202 : memref<8x1024xf32, #tpu.memory_space<hbm>>) dst(%arg11 : memref<8x1024xf32, #tpu.memory_space<vmem>>)
      %gt3A_203 = arith.constant 0 : i32
      %gt3A_204 = arith.cmpi sgt, %scan3A_147, %gt3A_203 : i32
      %convert_element_type3A_205 = arith.extui %gt3A_204 : i1 to i32
      %cond3A_206 = arith.constant 0 : i32
      %cond3A_207 = arith.cmpi ne, %convert_element_type3A_205, %cond3A_206 : i32
      scf.if %cond3A_207 {
        %sub3A = arith.constant 4 : i32
        %sub3A_312 = arith.subi %add3A_189, %sub3A : i32
        %mul3A_313 = arith.constant 32 : i32
        %mul3A_314 = arith.muli %sub3A_312, %mul3A_313 : i32
        %add3A_315 = arith.addi %add3A, %mul3A_314 : i32
        %mul3A_316 = arith.constant 1024 : i32
        %mul3A_317 = arith.muli %add3A_315, %mul3A_316 : i32
        %dma_wait3A_318 = tpu.memref_slice %arg4[%mul3A_317] : memref<393216xf32, #tpu.memory_space<hbm>> -> memref<1024xf32, #tpu.memory_space<hbm>>
        %dma_wait3A_319 = tpu.memref_slice %arg4[%mul3A_317] : memref<393216xf32, #tpu.memory_space<hbm>> -> memref<1024xf32, #tpu.memory_space<hbm>>
        tpu.wait_dma2 semaphore(%arg23 : memref<!tpu.dma_semaphore, #tpu.memory_space<semaphore_mem>>) src(%arg15 : memref<1024xf32, #tpu.memory_space<vmem>>) dst(%dma_wait3A_319 : memref<1024xf32, #tpu.memory_space<hbm>>)
      } else {
      }
      %scan3A_208 = arith.constant 0 : i32
      %scan3A_209 = arith.constant 0 : i32
      %scan3A_210 = arith.constant 64 : i32
      %scan3A_211 = arith.addi %scan3A_209, %scan3A_210 : i32
      %scan3A_212 = arith.constant 1 : i32
      %scan3A_213 = scf.for %scan3A_312 = %scan3A_209 to %scan3A_211 step %scan3A_212 iter_args(%scan3A_313 = %scan3A_208) -> (i32)  : i32 {
        %mul3A_314 = arith.constant 16 : i32
        %mul3A_315 = arith.muli %scan3A_312, %mul3A_314 : i32
        %get3A_316 = arith.constant 0 : i32
        %get3A_317 = arith.index_cast %get3A_316 : i32 to index
        %get3A_318 = arith.index_cast %mul3A_315 : i32 to index
        %get3A_319 = tpu.vector_load %arg7[%get3A_317, %get3A_318] {strides = array<i32>} : memref<8x1024xf32, #tpu.memory_space<vmem>>, vector<16xf32>,
        %mul3A_320 = arith.mulf %get3A_319, %gather3A_3 : vector<16xf32>
        %get3A_321 = arith.constant 1 : i32
        %get3A_322 = arith.index_cast %get3A_321 : i32 to index
        %get3A_323 = arith.index_cast %mul3A_315 : i32 to index
        %get3A_324 = tpu.vector_load %arg7[%get3A_322, %get3A_323] {strides = array<i32>} : memref<8x1024xf32, #tpu.memory_space<vmem>>, vector<16xf32>,
        %mul3A_325 = arith.mulf %get3A_324, %gather3A_8 : vector<16xf32>
        %add3A_326 = arith.addf %mul3A_320, %mul3A_325 : vector<16xf32>
        %get3A_327 = arith.constant 2 : i32
        %get3A_328 = arith.index_cast %get3A_327 : i32 to index
        %get3A_329 = arith.index_cast %mul3A_315 : i32 to index
        %get3A_330 = tpu.vector_load %arg7[%get3A_328, %get3A_329] {strides = array<i32>} : memref<8x1024xf32, #tpu.memory_space<vmem>>, vector<16xf32>,
        %mul3A_331 = arith.mulf %get3A_330, %gather3A_13 : vector<16xf32>
        %add3A_332 = arith.addf %add3A_326, %mul3A_331 : vector<16xf32>
        %get3A_333 = arith.constant 3 : i32
        %get3A_334 = arith.index_cast %get3A_333 : i32 to index
        %get3A_335 = arith.index_cast %mul3A_315 : i32 to index
        %get3A_336 = tpu.vector_load %arg7[%get3A_334, %get3A_335] {strides = array<i32>} : memref<8x1024xf32, #tpu.memory_space<vmem>>, vector<16xf32>,
        %mul3A_337 = arith.mulf %get3A_336, %gather3A_18 : vector<16xf32>
        %add3A_338 = arith.addf %add3A_332, %mul3A_337 : vector<16xf32>
        %get3A_339 = arith.constant 4 : i32
        %get3A_340 = arith.index_cast %get3A_339 : i32 to index
        %get3A_341 = arith.index_cast %mul3A_315 : i32 to index
        %get3A_342 = tpu.vector_load %arg7[%get3A_340, %get3A_341] {strides = array<i32>} : memref<8x1024xf32, #tpu.memory_space<vmem>>, vector<16xf32>,
        %mul3A_343 = arith.mulf %get3A_342, %gather3A_23 : vector<16xf32>
        %add3A_344 = arith.addf %add3A_338, %mul3A_343 : vector<16xf32>
        %get3A_345 = arith.constant 5 : i32
        %get3A_346 = arith.index_cast %get3A_345 : i32 to index
        %get3A_347 = arith.index_cast %mul3A_315 : i32 to index
        %get3A_348 = tpu.vector_load %arg7[%get3A_346, %get3A_347] {strides = array<i32>} : memref<8x1024xf32, #tpu.memory_space<vmem>>, vector<16xf32>,
        %mul3A_349 = arith.mulf %get3A_348, %gather3A_28 : vector<16xf32>
        %add3A_350 = arith.addf %add3A_344, %mul3A_349 : vector<16xf32>
        %get3A_351 = arith.constant 6 : i32
        %get3A_352 = arith.index_cast %get3A_351 : i32 to index
        %get3A_353 = arith.index_cast %mul3A_315 : i32 to index
        %get3A_354 = tpu.vector_load %arg7[%get3A_352, %get3A_353] {strides = array<i32>} : memref<8x1024xf32, #tpu.memory_space<vmem>>, vector<16xf32>,
        %mul3A_355 = arith.mulf %get3A_354, %gather3A_33 : vector<16xf32>
        %add3A_356 = arith.addf %add3A_350, %mul3A_355 : vector<16xf32>
        %get3A_357 = arith.constant 7 : i32
        %get3A_358 = arith.index_cast %get3A_357 : i32 to index
        %get3A_359 = arith.index_cast %mul3A_315 : i32 to index
        %get3A_360 = tpu.vector_load %arg7[%get3A_358, %get3A_359] {strides = array<i32>} : memref<8x1024xf32, #tpu.memory_space<vmem>>, vector<16xf32>,
        %mul3A_361 = arith.mulf %get3A_360, %gather3A_38 : vector<16xf32>
        %add3A_362 = arith.addf %add3A_356, %mul3A_361 : vector<16xf32>
        %get3A_363 = arith.constant 0 : i32
        %get3A_364 = arith.index_cast %get3A_363 : i32 to index
        %get3A_365 = arith.index_cast %mul3A_315 : i32 to index
        %get3A_366 = tpu.vector_load %arg11[%get3A_364, %get3A_365] {strides = array<i32>} : memref<8x1024xf32, #tpu.memory_space<vmem>>, vector<16xf32>,
        %mul3A_367 = arith.mulf %get3A_366, %gather3A_43 : vector<16xf32>
        %add3A_368 = arith.addf %add3A_362, %mul3A_367 : vector<16xf32>
        %get3A_369 = arith.constant 1 : i32
        %get3A_370 = arith.index_cast %get3A_369 : i32 to index
        %get3A_371 = arith.index_cast %mul3A_315 : i32 to index
        %get3A_372 = tpu.vector_load %arg11[%get3A_370, %get3A_371] {strides = array<i32>} : memref<8x1024xf32, #tpu.memory_space<vmem>>, vector<16xf32>,
        %mul3A_373 = arith.mulf %get3A_372, %gather3A_48 : vector<16xf32>
        %add3A_374 = arith.addf %add3A_368, %mul3A_373 : vector<16xf32>
        %get3A_375 = arith.constant 2 : i32
        %get3A_376 = arith.index_cast %get3A_375 : i32 to index
        %get3A_377 = arith.index_cast %mul3A_315 : i32 to index
        %get3A_378 = tpu.vector_load %arg11[%get3A_376, %get3A_377] {strides = array<i32>} : memref<8x1024xf32, #tpu.memory_space<vmem>>, vector<16xf32>,
        %mul3A_379 = arith.mulf %get3A_378, %gather3A_53 : vector<16xf32>
        %add3A_380 = arith.addf %add3A_374, %mul3A_379 : vector<16xf32>
        %get3A_381 = arith.constant 3 : i32
        %get3A_382 = arith.index_cast %get3A_381 : i32 to index
        %get3A_383 = arith.index_cast %mul3A_315 : i32 to index
        %get3A_384 = tpu.vector_load %arg11[%get3A_382, %get3A_383] {strides = array<i32>} : memref<8x1024xf32, #tpu.memory_space<vmem>>, vector<16xf32>,
        %mul3A_385 = arith.mulf %get3A_384, %gather3A_58 : vector<16xf32>
        %add3A_386 = arith.addf %add3A_380, %mul3A_385 : vector<16xf32>
        %get3A_387 = arith.constant 4 : i32
        %get3A_388 = arith.index_cast %get3A_387 : i32 to index
        %get3A_389 = arith.index_cast %mul3A_315 : i32 to index
        %get3A_390 = tpu.vector_load %arg11[%get3A_388, %get3A_389] {strides = array<i32>} : memref<8x1024xf32, #tpu.memory_space<vmem>>, vector<16xf32>,
        %mul3A_391 = arith.mulf %get3A_390, %gather3A_63 : vector<16xf32>
        %add3A_392 = arith.addf %add3A_386, %mul3A_391 : vector<16xf32>
        %get3A_393 = arith.constant 5 : i32
        %get3A_394 = arith.index_cast %get3A_393 : i32 to index
        %get3A_395 = arith.index_cast %mul3A_315 : i32 to index
        %get3A_396 = tpu.vector_load %arg11[%get3A_394, %get3A_395] {strides = array<i32>} : memref<8x1024xf32, #tpu.memory_space<vmem>>, vector<16xf32>,
        %mul3A_397 = arith.mulf %get3A_396, %gather3A_68 : vector<16xf32>
        %add3A_398 = arith.addf %add3A_392, %mul3A_397 : vector<16xf32>
        %get3A_399 = arith.constant 6 : i32
        %get3A_400 = arith.index_cast %get3A_399 : i32 to index
        %get3A_401 = arith.index_cast %mul3A_315 : i32 to index
        %get3A_402 = tpu.vector_load %arg11[%get3A_400, %get3A_401] {strides = array<i32>} : memref<8x1024xf32, #tpu.memory_space<vmem>>, vector<16xf32>,
        %mul3A_403 = arith.mulf %get3A_402, %gather3A_73 : vector<16xf32>
        %add3A_404 = arith.addf %add3A_398, %mul3A_403 : vector<16xf32>
        %get3A_405 = arith.constant 7 : i32
        %get3A_406 = arith.index_cast %get3A_405 : i32 to index
        %get3A_407 = arith.index_cast %mul3A_315 : i32 to index
        %get3A_408 = tpu.vector_load %arg11[%get3A_406, %get3A_407] {strides = array<i32>} : memref<8x1024xf32, #tpu.memory_space<vmem>>, vector<16xf32>,
        %mul3A_409 = arith.mulf %get3A_408, %gather3A_78 : vector<16xf32>
        %add3A_410 = arith.addf %add3A_404, %mul3A_409 : vector<16xf32>
        %swap3A = arith.index_cast %mul3A_315 : i32 to index
        %swap3A_411 = tpu.vector_load %arg15[%swap3A] {strides = array<i32>} : memref<1024xf32, #tpu.memory_space<vmem>>, vector<16xf32>,
        tpu.vector_store %arg15[%swap3A], %add3A_410 {strides = array<i32>} : memref<1024xf32, #tpu.memory_space<vmem>>, vector<16xf32>,
        %scan3A_412 = arith.constant 0 : i32
        scf.yield %scan3A_412 : i32
      }
      %scan3A_214 = arith.constant 64 : i32
      %mul3A_215 = arith.constant 32 : i32
      %mul3A_216 = arith.muli %add3A_189, %mul3A_215 : i32
      %add3A_217 = arith.addi %add3A, %mul3A_216 : i32
      %mul3A_218 = arith.constant 1024 : i32
      %mul3A_219 = arith.muli %add3A_217, %mul3A_218 : i32
      %dma_start3A_220 = tpu.memref_slice %arg4[%mul3A_219] : memref<393216xf32, #tpu.memory_space<hbm>> -> memref<1024xf32, #tpu.memory_space<hbm>>
      %dma_start3A_221 = tpu.memref_slice %arg4[%mul3A_219] : memref<393216xf32, #tpu.memory_space<hbm>> -> memref<1024xf32, #tpu.memory_space<hbm>>
      tpu.enqueue_dma source(%arg15 : memref<1024xf32, #tpu.memory_space<vmem>>) target(%dma_start3A_221 : memref<1024xf32, #tpu.memory_space<hbm>>) target_semaphore(%arg23 : memref<!tpu.dma_semaphore, #tpu.memory_space<semaphore_mem>>)
      %add3A_222 = arith.constant 4 : i32
      %add3A_223 = arith.addi %add3A_189, %add3A_222 : i32
      %lt3A_224 = arith.constant 12 : i32
      %lt3A_225 = arith.cmpi slt, %add3A_223, %lt3A_224 : i32
      %convert_element_type3A_226 = arith.extui %lt3A_225 : i1 to i32
      %cond3A_227 = arith.constant 0 : i32
      %cond3A_228 = arith.cmpi ne, %convert_element_type3A_226, %cond3A_227 : i32
      scf.if %cond3A_228 {
        %add3A_312 = arith.constant 4 : i32
        %add3A_313 = arith.addi %add3A_189, %add3A_312 : i32
        %mul3A_314 = arith.constant 32 : i32
        %mul3A_315 = arith.muli %add3A_313, %mul3A_314 : i32
        %add3A_316 = arith.addi %add3A, %mul3A_315 : i32
        %mul3A_317 = arith.constant 1024 : i32
        %mul3A_318 = arith.muli %add3A_316, %mul3A_317 : i32
        %dma_start3A_319 = arith.constant 0 : i32
        %dma_start3A_320 = tpu.memref_slice %arg2[%dma_start3A_319, %mul3A_318] : memref<16x1000000xf32, #tpu.memory_space<hbm>> -> memref<8x1024xf32, #tpu.memory_space<hbm>>
        %dma_start3A_321 = arith.constant 0 : i32
        %dma_start3A_322 = tpu.memref_slice %arg2[%dma_start3A_321, %mul3A_318] : memref<16x1000000xf32, #tpu.memory_space<hbm>> -> memref<8x1024xf32, #tpu.memory_space<hbm>>
        tpu.enqueue_dma source(%dma_start3A_322 : memref<8x1024xf32, #tpu.memory_space<hbm>>) target(%arg7 : memref<8x1024xf32, #tpu.memory_space<vmem>>) target_semaphore(%arg19 : memref<!tpu.dma_semaphore, #tpu.memory_space<semaphore_mem>>)
        %dma_start3A_323 = arith.constant 8 : i32
        %dma_start3A_324 = tpu.memref_slice %arg2[%dma_start3A_323, %mul3A_318] : memref<16x1000000xf32, #tpu.memory_space<hbm>> -> memref<8x1024xf32, #tpu.memory_space<hbm>>
        %dma_start3A_325 = arith.constant 8 : i32
        %dma_start3A_326 = tpu.memref_slice %arg2[%dma_start3A_325, %mul3A_318] : memref<16x1000000xf32, #tpu.memory_space<hbm>> -> memref<8x1024xf32, #tpu.memory_space<hbm>>
        tpu.enqueue_dma source(%dma_start3A_326 : memref<8x1024xf32, #tpu.memory_space<hbm>>) target(%arg11 : memref<8x1024xf32, #tpu.memory_space<vmem>>) target_semaphore(%arg19 : memref<!tpu.dma_semaphore, #tpu.memory_space<semaphore_mem>>)
      } else {
      }
      %add3A_229 = arith.constant 2 : i32
      %add3A_230 = arith.addi %mul3A_150, %add3A_229 : i32
      %mul3A_231 = arith.constant 32 : i32
      %mul3A_232 = arith.muli %add3A_230, %mul3A_231 : i32
      %add3A_233 = arith.addi %add3A, %mul3A_232 : i32
      %mul3A_234 = arith.constant 1024 : i32
      %mul3A_235 = arith.muli %add3A_233, %mul3A_234 : i32
      %dma_wait3A_236 = arith.constant 0 : i32
      %dma_wait3A_237 = tpu.memref_slice %arg2[%dma_wait3A_236, %mul3A_235] : memref<16x1000000xf32, #tpu.memory_space<hbm>> -> memref<8x1024xf32, #tpu.memory_space<hbm>>
      %dma_wait3A_238 = arith.constant 0 : i32
      %dma_wait3A_239 = tpu.memref_slice %arg2[%dma_wait3A_238, %mul3A_235] : memref<16x1000000xf32, #tpu.memory_space<hbm>> -> memref<8x1024xf32, #tpu.memory_space<hbm>>
      tpu.wait_dma2 semaphore(%arg20 : memref<!tpu.dma_semaphore, #tpu.memory_space<semaphore_mem>>) src(%dma_wait3A_239 : memref<8x1024xf32, #tpu.memory_space<hbm>>) dst(%arg8 : memref<8x1024xf32, #tpu.memory_space<vmem>>)
      %dma_wait3A_240 = arith.constant 8 : i32
      %dma_wait3A_241 = tpu.memref_slice %arg2[%dma_wait3A_240, %mul3A_235] : memref<16x1000000xf32, #tpu.memory_space<hbm>> -> memref<8x1024xf32, #tpu.memory_space<hbm>>
      %dma_wait3A_242 = arith.constant 8 : i32
      %dma_wait3A_243 = tpu.memref_slice %arg2[%dma_wait3A_242, %mul3A_235] : memref<16x1000000xf32, #tpu.memory_space<hbm>> -> memref<8x1024xf32, #tpu.memory_space<hbm>>
      tpu.wait_dma2 semaphore(%arg20 : memref<!tpu.dma_semaphore, #tpu.memory_space<semaphore_mem>>) src(%dma_wait3A_243 : memref<8x1024xf32, #tpu.memory_space<hbm>>) dst(%arg12 : memref<8x1024xf32, #tpu.memory_space<vmem>>)
      %gt3A_244 = arith.constant 0 : i32
      %gt3A_245 = arith.cmpi sgt, %scan3A_147, %gt3A_244 : i32
      %convert_element_type3A_246 = arith.extui %gt3A_245 : i1 to i32
      %cond3A_247 = arith.constant 0 : i32
      %cond3A_248 = arith.cmpi ne, %convert_element_type3A_246, %cond3A_247 : i32
      scf.if %cond3A_248 {
        %sub3A = arith.constant 4 : i32
        %sub3A_312 = arith.subi %add3A_230, %sub3A : i32
        %mul3A_313 = arith.constant 32 : i32
        %mul3A_314 = arith.muli %sub3A_312, %mul3A_313 : i32
        %add3A_315 = arith.addi %add3A, %mul3A_314 : i32
        %mul3A_316 = arith.constant 1024 : i32
        %mul3A_317 = arith.muli %add3A_315, %mul3A_316 : i32
        %dma_wait3A_318 = tpu.memref_slice %arg4[%mul3A_317] : memref<393216xf32, #tpu.memory_space<hbm>> -> memref<1024xf32, #tpu.memory_space<hbm>>
        %dma_wait3A_319 = tpu.memref_slice %arg4[%mul3A_317] : memref<393216xf32, #tpu.memory_space<hbm>> -> memref<1024xf32, #tpu.memory_space<hbm>>
        tpu.wait_dma2 semaphore(%arg24 : memref<!tpu.dma_semaphore, #tpu.memory_space<semaphore_mem>>) src(%arg16 : memref<1024xf32, #tpu.memory_space<vmem>>) dst(%dma_wait3A_319 : memref<1024xf32, #tpu.memory_space<hbm>>)
      } else {
      }
      %scan3A_249 = arith.constant 0 : i32
      %scan3A_250 = arith.constant 0 : i32
      %scan3A_251 = arith.constant 64 : i32
      %scan3A_252 = arith.addi %scan3A_250, %scan3A_251 : i32
      %scan3A_253 = arith.constant 1 : i32
      %scan3A_254 = scf.for %scan3A_312 = %scan3A_250 to %scan3A_252 step %scan3A_253 iter_args(%scan3A_313 = %scan3A_249) -> (i32)  : i32 {
        %mul3A_314 = arith.constant 16 : i32
        %mul3A_315 = arith.muli %scan3A_312, %mul3A_314 : i32
        %get3A_316 = arith.constant 0 : i32
        %get3A_317 = arith.index_cast %get3A_316 : i32 to index
        %get3A_318 = arith.index_cast %mul3A_315 : i32 to index
        %get3A_319 = tpu.vector_load %arg8[%get3A_317, %get3A_318] {strides = array<i32>} : memref<8x1024xf32, #tpu.memory_space<vmem>>, vector<16xf32>,
        %mul3A_320 = arith.mulf %get3A_319, %gather3A_3 : vector<16xf32>
        %get3A_321 = arith.constant 1 : i32
        %get3A_322 = arith.index_cast %get3A_321 : i32 to index
        %get3A_323 = arith.index_cast %mul3A_315 : i32 to index
        %get3A_324 = tpu.vector_load %arg8[%get3A_322, %get3A_323] {strides = array<i32>} : memref<8x1024xf32, #tpu.memory_space<vmem>>, vector<16xf32>,
        %mul3A_325 = arith.mulf %get3A_324, %gather3A_8 : vector<16xf32>
        %add3A_326 = arith.addf %mul3A_320, %mul3A_325 : vector<16xf32>
        %get3A_327 = arith.constant 2 : i32
        %get3A_328 = arith.index_cast %get3A_327 : i32 to index
        %get3A_329 = arith.index_cast %mul3A_315 : i32 to index
        %get3A_330 = tpu.vector_load %arg8[%get3A_328, %get3A_329] {strides = array<i32>} : memref<8x1024xf32, #tpu.memory_space<vmem>>, vector<16xf32>,
        %mul3A_331 = arith.mulf %get3A_330, %gather3A_13 : vector<16xf32>
        %add3A_332 = arith.addf %add3A_326, %mul3A_331 : vector<16xf32>
        %get3A_333 = arith.constant 3 : i32
        %get3A_334 = arith.index_cast %get3A_333 : i32 to index
        %get3A_335 = arith.index_cast %mul3A_315 : i32 to index
        %get3A_336 = tpu.vector_load %arg8[%get3A_334, %get3A_335] {strides = array<i32>} : memref<8x1024xf32, #tpu.memory_space<vmem>>, vector<16xf32>,
        %mul3A_337 = arith.mulf %get3A_336, %gather3A_18 : vector<16xf32>
        %add3A_338 = arith.addf %add3A_332, %mul3A_337 : vector<16xf32>
        %get3A_339 = arith.constant 4 : i32
        %get3A_340 = arith.index_cast %get3A_339 : i32 to index
        %get3A_341 = arith.index_cast %mul3A_315 : i32 to index
        %get3A_342 = tpu.vector_load %arg8[%get3A_340, %get3A_341] {strides = array<i32>} : memref<8x1024xf32, #tpu.memory_space<vmem>>, vector<16xf32>,
        %mul3A_343 = arith.mulf %get3A_342, %gather3A_23 : vector<16xf32>
        %add3A_344 = arith.addf %add3A_338, %mul3A_343 : vector<16xf32>
        %get3A_345 = arith.constant 5 : i32
        %get3A_346 = arith.index_cast %get3A_345 : i32 to index
        %get3A_347 = arith.index_cast %mul3A_315 : i32 to index
        %get3A_348 = tpu.vector_load %arg8[%get3A_346, %get3A_347] {strides = array<i32>} : memref<8x1024xf32, #tpu.memory_space<vmem>>, vector<16xf32>,
        %mul3A_349 = arith.mulf %get3A_348, %gather3A_28 : vector<16xf32>
        %add3A_350 = arith.addf %add3A_344, %mul3A_349 : vector<16xf32>
        %get3A_351 = arith.constant 6 : i32
        %get3A_352 = arith.index_cast %get3A_351 : i32 to index
        %get3A_353 = arith.index_cast %mul3A_315 : i32 to index
        %get3A_354 = tpu.vector_load %arg8[%get3A_352, %get3A_353] {strides = array<i32>} : memref<8x1024xf32, #tpu.memory_space<vmem>>, vector<16xf32>,
        %mul3A_355 = arith.mulf %get3A_354, %gather3A_33 : vector<16xf32>
        %add3A_356 = arith.addf %add3A_350, %mul3A_355 : vector<16xf32>
        %get3A_357 = arith.constant 7 : i32
        %get3A_358 = arith.index_cast %get3A_357 : i32 to index
        %get3A_359 = arith.index_cast %mul3A_315 : i32 to index
        %get3A_360 = tpu.vector_load %arg8[%get3A_358, %get3A_359] {strides = array<i32>} : memref<8x1024xf32, #tpu.memory_space<vmem>>, vector<16xf32>,
        %mul3A_361 = arith.mulf %get3A_360, %gather3A_38 : vector<16xf32>
        %add3A_362 = arith.addf %add3A_356, %mul3A_361 : vector<16xf32>
        %get3A_363 = arith.constant 0 : i32
        %get3A_364 = arith.index_cast %get3A_363 : i32 to index
        %get3A_365 = arith.index_cast %mul3A_315 : i32 to index
        %get3A_366 = tpu.vector_load %arg12[%get3A_364, %get3A_365] {strides = array<i32>} : memref<8x1024xf32, #tpu.memory_space<vmem>>, vector<16xf32>,
        %mul3A_367 = arith.mulf %get3A_366, %gather3A_43 : vector<16xf32>
        %add3A_368 = arith.addf %add3A_362, %mul3A_367 : vector<16xf32>
        %get3A_369 = arith.constant 1 : i32
        %get3A_370 = arith.index_cast %get3A_369 : i32 to index
        %get3A_371 = arith.index_cast %mul3A_315 : i32 to index
        %get3A_372 = tpu.vector_load %arg12[%get3A_370, %get3A_371] {strides = array<i32>} : memref<8x1024xf32, #tpu.memory_space<vmem>>, vector<16xf32>,
        %mul3A_373 = arith.mulf %get3A_372, %gather3A_48 : vector<16xf32>
        %add3A_374 = arith.addf %add3A_368, %mul3A_373 : vector<16xf32>
        %get3A_375 = arith.constant 2 : i32
        %get3A_376 = arith.index_cast %get3A_375 : i32 to index
        %get3A_377 = arith.index_cast %mul3A_315 : i32 to index
        %get3A_378 = tpu.vector_load %arg12[%get3A_376, %get3A_377] {strides = array<i32>} : memref<8x1024xf32, #tpu.memory_space<vmem>>, vector<16xf32>,
        %mul3A_379 = arith.mulf %get3A_378, %gather3A_53 : vector<16xf32>
        %add3A_380 = arith.addf %add3A_374, %mul3A_379 : vector<16xf32>
        %get3A_381 = arith.constant 3 : i32
        %get3A_382 = arith.index_cast %get3A_381 : i32 to index
        %get3A_383 = arith.index_cast %mul3A_315 : i32 to index
        %get3A_384 = tpu.vector_load %arg12[%get3A_382, %get3A_383] {strides = array<i32>} : memref<8x1024xf32, #tpu.memory_space<vmem>>, vector<16xf32>,
        %mul3A_385 = arith.mulf %get3A_384, %gather3A_58 : vector<16xf32>
        %add3A_386 = arith.addf %add3A_380, %mul3A_385 : vector<16xf32>
        %get3A_387 = arith.constant 4 : i32
        %get3A_388 = arith.index_cast %get3A_387 : i32 to index
        %get3A_389 = arith.index_cast %mul3A_315 : i32 to index
        %get3A_390 = tpu.vector_load %arg12[%get3A_388, %get3A_389] {strides = array<i32>} : memref<8x1024xf32, #tpu.memory_space<vmem>>, vector<16xf32>,
        %mul3A_391 = arith.mulf %get3A_390, %gather3A_63 : vector<16xf32>
        %add3A_392 = arith.addf %add3A_386, %mul3A_391 : vector<16xf32>
        %get3A_393 = arith.constant 5 : i32
        %get3A_394 = arith.index_cast %get3A_393 : i32 to index
        %get3A_395 = arith.index_cast %mul3A_315 : i32 to index
        %get3A_396 = tpu.vector_load %arg12[%get3A_394, %get3A_395] {strides = array<i32>} : memref<8x1024xf32, #tpu.memory_space<vmem>>, vector<16xf32>,
        %mul3A_397 = arith.mulf %get3A_396, %gather3A_68 : vector<16xf32>
        %add3A_398 = arith.addf %add3A_392, %mul3A_397 : vector<16xf32>
        %get3A_399 = arith.constant 6 : i32
        %get3A_400 = arith.index_cast %get3A_399 : i32 to index
        %get3A_401 = arith.index_cast %mul3A_315 : i32 to index
        %get3A_402 = tpu.vector_load %arg12[%get3A_400, %get3A_401] {strides = array<i32>} : memref<8x1024xf32, #tpu.memory_space<vmem>>, vector<16xf32>,
        %mul3A_403 = arith.mulf %get3A_402, %gather3A_73 : vector<16xf32>
        %add3A_404 = arith.addf %add3A_398, %mul3A_403 : vector<16xf32>
        %get3A_405 = arith.constant 7 : i32
        %get3A_406 = arith.index_cast %get3A_405 : i32 to index
        %get3A_407 = arith.index_cast %mul3A_315 : i32 to index
        %get3A_408 = tpu.vector_load %arg12[%get3A_406, %get3A_407] {strides = array<i32>} : memref<8x1024xf32, #tpu.memory_space<vmem>>, vector<16xf32>,
        %mul3A_409 = arith.mulf %get3A_408, %gather3A_78 : vector<16xf32>
        %add3A_410 = arith.addf %add3A_404, %mul3A_409 : vector<16xf32>
        %swap3A = arith.index_cast %mul3A_315 : i32 to index
        %swap3A_411 = tpu.vector_load %arg16[%swap3A] {strides = array<i32>} : memref<1024xf32, #tpu.memory_space<vmem>>, vector<16xf32>,
        tpu.vector_store %arg16[%swap3A], %add3A_410 {strides = array<i32>} : memref<1024xf32, #tpu.memory_space<vmem>>, vector<16xf32>,
        %scan3A_412 = arith.constant 0 : i32
        scf.yield %scan3A_412 : i32
      }
      %scan3A_255 = arith.constant 64 : i32
      %mul3A_256 = arith.constant 32 : i32
      %mul3A_257 = arith.muli %add3A_230, %mul3A_256 : i32
      %add3A_258 = arith.addi %add3A, %mul3A_257 : i32
      %mul3A_259 = arith.constant 1024 : i32
      %mul3A_260 = arith.muli %add3A_258, %mul3A_259 : i32
      %dma_start3A_261 = tpu.memref_slice %arg4[%mul3A_260] : memref<393216xf32, #tpu.memory_space<hbm>> -> memref<1024xf32, #tpu.memory_space<hbm>>
      %dma_start3A_262 = tpu.memref_slice %arg4[%mul3A_260] : memref<393216xf32, #tpu.memory_space<hbm>> -> memref<1024xf32, #tpu.memory_space<hbm>>
      tpu.enqueue_dma source(%arg16 : memref<1024xf32, #tpu.memory_space<vmem>>) target(%dma_start3A_262 : memref<1024xf32, #tpu.memory_space<hbm>>) target_semaphore(%arg24 : memref<!tpu.dma_semaphore, #tpu.memory_space<semaphore_mem>>)
      %add3A_263 = arith.constant 4 : i32
      %add3A_264 = arith.addi %add3A_230, %add3A_263 : i32
      %lt3A_265 = arith.constant 12 : i32
      %lt3A_266 = arith.cmpi slt, %add3A_264, %lt3A_265 : i32
      %convert_element_type3A_267 = arith.extui %lt3A_266 : i1 to i32
      %cond3A_268 = arith.constant 0 : i32
      %cond3A_269 = arith.cmpi ne, %convert_element_type3A_267, %cond3A_268 : i32
      scf.if %cond3A_269 {
        %add3A_312 = arith.constant 4 : i32
        %add3A_313 = arith.addi %add3A_230, %add3A_312 : i32
        %mul3A_314 = arith.constant 32 : i32
        %mul3A_315 = arith.muli %add3A_313, %mul3A_314 : i32
        %add3A_316 = arith.addi %add3A, %mul3A_315 : i32
        %mul3A_317 = arith.constant 1024 : i32
        %mul3A_318 = arith.muli %add3A_316, %mul3A_317 : i32
        %dma_start3A_319 = arith.constant 0 : i32
        %dma_start3A_320 = tpu.memref_slice %arg2[%dma_start3A_319, %mul3A_318] : memref<16x1000000xf32, #tpu.memory_space<hbm>> -> memref<8x1024xf32, #tpu.memory_space<hbm>>
        %dma_start3A_321 = arith.constant 0 : i32
        %dma_start3A_322 = tpu.memref_slice %arg2[%dma_start3A_321, %mul3A_318] : memref<16x1000000xf32, #tpu.memory_space<hbm>> -> memref<8x1024xf32, #tpu.memory_space<hbm>>
        tpu.enqueue_dma source(%dma_start3A_322 : memref<8x1024xf32, #tpu.memory_space<hbm>>) target(%arg8 : memref<8x1024xf32, #tpu.memory_space<vmem>>) target_semaphore(%arg20 : memref<!tpu.dma_semaphore, #tpu.memory_space<semaphore_mem>>)
        %dma_start3A_323 = arith.constant 8 : i32
        %dma_start3A_324 = tpu.memref_slice %arg2[%dma_start3A_323, %mul3A_318] : memref<16x1000000xf32, #tpu.memory_space<hbm>> -> memref<8x1024xf32, #tpu.memory_space<hbm>>
        %dma_start3A_325 = arith.constant 8 : i32
        %dma_start3A_326 = tpu.memref_slice %arg2[%dma_start3A_325, %mul3A_318] : memref<16x1000000xf32, #tpu.memory_space<hbm>> -> memref<8x1024xf32, #tpu.memory_space<hbm>>
        tpu.enqueue_dma source(%dma_start3A_326 : memref<8x1024xf32, #tpu.memory_space<hbm>>) target(%arg12 : memref<8x1024xf32, #tpu.memory_space<vmem>>) target_semaphore(%arg20 : memref<!tpu.dma_semaphore, #tpu.memory_space<semaphore_mem>>)
      } else {
      }
      %add3A_270 = arith.constant 3 : i32
      %add3A_271 = arith.addi %mul3A_150, %add3A_270 : i32
      %mul3A_272 = arith.constant 32 : i32
      %mul3A_273 = arith.muli %add3A_271, %mul3A_272 : i32
      %add3A_274 = arith.addi %add3A, %mul3A_273 : i32
      %mul3A_275 = arith.constant 1024 : i32
      %mul3A_276 = arith.muli %add3A_274, %mul3A_275 : i32
      %dma_wait3A_277 = arith.constant 0 : i32
      %dma_wait3A_278 = tpu.memref_slice %arg2[%dma_wait3A_277, %mul3A_276] : memref<16x1000000xf32, #tpu.memory_space<hbm>> -> memref<8x1024xf32, #tpu.memory_space<hbm>>
      %dma_wait3A_279 = arith.constant 0 : i32
      %dma_wait3A_280 = tpu.memref_slice %arg2[%dma_wait3A_279, %mul3A_276] : memref<16x1000000xf32, #tpu.memory_space<hbm>> -> memref<8x1024xf32, #tpu.memory_space<hbm>>
      tpu.wait_dma2 semaphore(%arg21 : memref<!tpu.dma_semaphore, #tpu.memory_space<semaphore_mem>>) src(%dma_wait3A_280 : memref<8x1024xf32, #tpu.memory_space<hbm>>) dst(%arg9 : memref<8x1024xf32, #tpu.memory_space<vmem>>)
      %dma_wait3A_281 = arith.constant 8 : i32
      %dma_wait3A_282 = tpu.memref_slice %arg2[%dma_wait3A_281, %mul3A_276] : memref<16x1000000xf32, #tpu.memory_space<hbm>> -> memref<8x1024xf32, #tpu.memory_space<hbm>>
      %dma_wait3A_283 = arith.constant 8 : i32
      %dma_wait3A_284 = tpu.memref_slice %arg2[%dma_wait3A_283, %mul3A_276] : memref<16x1000000xf32, #tpu.memory_space<hbm>> -> memref<8x1024xf32, #tpu.memory_space<hbm>>
      tpu.wait_dma2 semaphore(%arg21 : memref<!tpu.dma_semaphore, #tpu.memory_space<semaphore_mem>>) src(%dma_wait3A_284 : memref<8x1024xf32, #tpu.memory_space<hbm>>) dst(%arg13 : memref<8x1024xf32, #tpu.memory_space<vmem>>)
      %gt3A_285 = arith.constant 0 : i32
      %gt3A_286 = arith.cmpi sgt, %scan3A_147, %gt3A_285 : i32
      %convert_element_type3A_287 = arith.extui %gt3A_286 : i1 to i32
      %cond3A_288 = arith.constant 0 : i32
      %cond3A_289 = arith.cmpi ne, %convert_element_type3A_287, %cond3A_288 : i32
      scf.if %cond3A_289 {
        %sub3A = arith.constant 4 : i32
        %sub3A_312 = arith.subi %add3A_271, %sub3A : i32
        %mul3A_313 = arith.constant 32 : i32
        %mul3A_314 = arith.muli %sub3A_312, %mul3A_313 : i32
        %add3A_315 = arith.addi %add3A, %mul3A_314 : i32
        %mul3A_316 = arith.constant 1024 : i32
        %mul3A_317 = arith.muli %add3A_315, %mul3A_316 : i32
        %dma_wait3A_318 = tpu.memref_slice %arg4[%mul3A_317] : memref<393216xf32, #tpu.memory_space<hbm>> -> memref<1024xf32, #tpu.memory_space<hbm>>
        %dma_wait3A_319 = tpu.memref_slice %arg4[%mul3A_317] : memref<393216xf32, #tpu.memory_space<hbm>> -> memref<1024xf32, #tpu.memory_space<hbm>>
        tpu.wait_dma2 semaphore(%arg25 : memref<!tpu.dma_semaphore, #tpu.memory_space<semaphore_mem>>) src(%arg17 : memref<1024xf32, #tpu.memory_space<vmem>>) dst(%dma_wait3A_319 : memref<1024xf32, #tpu.memory_space<hbm>>)
      } else {
      }
      %scan3A_290 = arith.constant 0 : i32
      %scan3A_291 = arith.constant 0 : i32
      %scan3A_292 = arith.constant 64 : i32
      %scan3A_293 = arith.addi %scan3A_291, %scan3A_292 : i32
      %scan3A_294 = arith.constant 1 : i32
      %scan3A_295 = scf.for %scan3A_312 = %scan3A_291 to %scan3A_293 step %scan3A_294 iter_args(%scan3A_313 = %scan3A_290) -> (i32)  : i32 {
        %mul3A_314 = arith.constant 16 : i32
        %mul3A_315 = arith.muli %scan3A_312, %mul3A_314 : i32
        %get3A_316 = arith.constant 0 : i32
        %get3A_317 = arith.index_cast %get3A_316 : i32 to index
        %get3A_318 = arith.index_cast %mul3A_315 : i32 to index
        %get3A_319 = tpu.vector_load %arg9[%get3A_317, %get3A_318] {strides = array<i32>} : memref<8x1024xf32, #tpu.memory_space<vmem>>, vector<16xf32>,
        %mul3A_320 = arith.mulf %get3A_319, %gather3A_3 : vector<16xf32>
        %get3A_321 = arith.constant 1 : i32
        %get3A_322 = arith.index_cast %get3A_321 : i32 to index
        %get3A_323 = arith.index_cast %mul3A_315 : i32 to index
        %get3A_324 = tpu.vector_load %arg9[%get3A_322, %get3A_323] {strides = array<i32>} : memref<8x1024xf32, #tpu.memory_space<vmem>>, vector<16xf32>,
        %mul3A_325 = arith.mulf %get3A_324, %gather3A_8 : vector<16xf32>
        %add3A_326 = arith.addf %mul3A_320, %mul3A_325 : vector<16xf32>
        %get3A_327 = arith.constant 2 : i32
        %get3A_328 = arith.index_cast %get3A_327 : i32 to index
        %get3A_329 = arith.index_cast %mul3A_315 : i32 to index
        %get3A_330 = tpu.vector_load %arg9[%get3A_328, %get3A_329] {strides = array<i32>} : memref<8x1024xf32, #tpu.memory_space<vmem>>, vector<16xf32>,
        %mul3A_331 = arith.mulf %get3A_330, %gather3A_13 : vector<16xf32>
        %add3A_332 = arith.addf %add3A_326, %mul3A_331 : vector<16xf32>
        %get3A_333 = arith.constant 3 : i32
        %get3A_334 = arith.index_cast %get3A_333 : i32 to index
        %get3A_335 = arith.index_cast %mul3A_315 : i32 to index
        %get3A_336 = tpu.vector_load %arg9[%get3A_334, %get3A_335] {strides = array<i32>} : memref<8x1024xf32, #tpu.memory_space<vmem>>, vector<16xf32>,
        %mul3A_337 = arith.mulf %get3A_336, %gather3A_18 : vector<16xf32>
        %add3A_338 = arith.addf %add3A_332, %mul3A_337 : vector<16xf32>
        %get3A_339 = arith.constant 4 : i32
        %get3A_340 = arith.index_cast %get3A_339 : i32 to index
        %get3A_341 = arith.index_cast %mul3A_315 : i32 to index
        %get3A_342 = tpu.vector_load %arg9[%get3A_340, %get3A_341] {strides = array<i32>} : memref<8x1024xf32, #tpu.memory_space<vmem>>, vector<16xf32>,
        %mul3A_343 = arith.mulf %get3A_342, %gather3A_23 : vector<16xf32>
        %add3A_344 = arith.addf %add3A_338, %mul3A_343 : vector<16xf32>
        %get3A_345 = arith.constant 5 : i32
        %get3A_346 = arith.index_cast %get3A_345 : i32 to index
        %get3A_347 = arith.index_cast %mul3A_315 : i32 to index
        %get3A_348 = tpu.vector_load %arg9[%get3A_346, %get3A_347] {strides = array<i32>} : memref<8x1024xf32, #tpu.memory_space<vmem>>, vector<16xf32>,
        %mul3A_349 = arith.mulf %get3A_348, %gather3A_28 : vector<16xf32>
        %add3A_350 = arith.addf %add3A_344, %mul3A_349 : vector<16xf32>
        %get3A_351 = arith.constant 6 : i32
        %get3A_352 = arith.index_cast %get3A_351 : i32 to index
        %get3A_353 = arith.index_cast %mul3A_315 : i32 to index
        %get3A_354 = tpu.vector_load %arg9[%get3A_352, %get3A_353] {strides = array<i32>} : memref<8x1024xf32, #tpu.memory_space<vmem>>, vector<16xf32>,
        %mul3A_355 = arith.mulf %get3A_354, %gather3A_33 : vector<16xf32>
        %add3A_356 = arith.addf %add3A_350, %mul3A_355 : vector<16xf32>
        %get3A_357 = arith.constant 7 : i32
        %get3A_358 = arith.index_cast %get3A_357 : i32 to index
        %get3A_359 = arith.index_cast %mul3A_315 : i32 to index
        %get3A_360 = tpu.vector_load %arg9[%get3A_358, %get3A_359] {strides = array<i32>} : memref<8x1024xf32, #tpu.memory_space<vmem>>, vector<16xf32>,
        %mul3A_361 = arith.mulf %get3A_360, %gather3A_38 : vector<16xf32>
        %add3A_362 = arith.addf %add3A_356, %mul3A_361 : vector<16xf32>
        %get3A_363 = arith.constant 0 : i32
        %get3A_364 = arith.index_cast %get3A_363 : i32 to index
        %get3A_365 = arith.index_cast %mul3A_315 : i32 to index
        %get3A_366 = tpu.vector_load %arg13[%get3A_364, %get3A_365] {strides = array<i32>} : memref<8x1024xf32, #tpu.memory_space<vmem>>, vector<16xf32>,
        %mul3A_367 = arith.mulf %get3A_366, %gather3A_43 : vector<16xf32>
        %add3A_368 = arith.addf %add3A_362, %mul3A_367 : vector<16xf32>
        %get3A_369 = arith.constant 1 : i32
        %get3A_370 = arith.index_cast %get3A_369 : i32 to index
        %get3A_371 = arith.index_cast %mul3A_315 : i32 to index
        %get3A_372 = tpu.vector_load %arg13[%get3A_370, %get3A_371] {strides = array<i32>} : memref<8x1024xf32, #tpu.memory_space<vmem>>, vector<16xf32>,
        %mul3A_373 = arith.mulf %get3A_372, %gather3A_48 : vector<16xf32>
        %add3A_374 = arith.addf %add3A_368, %mul3A_373 : vector<16xf32>
        %get3A_375 = arith.constant 2 : i32
        %get3A_376 = arith.index_cast %get3A_375 : i32 to index
        %get3A_377 = arith.index_cast %mul3A_315 : i32 to index
        %get3A_378 = tpu.vector_load %arg13[%get3A_376, %get3A_377] {strides = array<i32>} : memref<8x1024xf32, #tpu.memory_space<vmem>>, vector<16xf32>,
        %mul3A_379 = arith.mulf %get3A_378, %gather3A_53 : vector<16xf32>
        %add3A_380 = arith.addf %add3A_374, %mul3A_379 : vector<16xf32>
        %get3A_381 = arith.constant 3 : i32
        %get3A_382 = arith.index_cast %get3A_381 : i32 to index
        %get3A_383 = arith.index_cast %mul3A_315 : i32 to index
        %get3A_384 = tpu.vector_load %arg13[%get3A_382, %get3A_383] {strides = array<i32>} : memref<8x1024xf32, #tpu.memory_space<vmem>>, vector<16xf32>,
        %mul3A_385 = arith.mulf %get3A_384, %gather3A_58 : vector<16xf32>
        %add3A_386 = arith.addf %add3A_380, %mul3A_385 : vector<16xf32>
        %get3A_387 = arith.constant 4 : i32
        %get3A_388 = arith.index_cast %get3A_387 : i32 to index
        %get3A_389 = arith.index_cast %mul3A_315 : i32 to index
        %get3A_390 = tpu.vector_load %arg13[%get3A_388, %get3A_389] {strides = array<i32>} : memref<8x1024xf32, #tpu.memory_space<vmem>>, vector<16xf32>,
        %mul3A_391 = arith.mulf %get3A_390, %gather3A_63 : vector<16xf32>
        %add3A_392 = arith.addf %add3A_386, %mul3A_391 : vector<16xf32>
        %get3A_393 = arith.constant 5 : i32
        %get3A_394 = arith.index_cast %get3A_393 : i32 to index
        %get3A_395 = arith.index_cast %mul3A_315 : i32 to index
        %get3A_396 = tpu.vector_load %arg13[%get3A_394, %get3A_395] {strides = array<i32>} : memref<8x1024xf32, #tpu.memory_space<vmem>>, vector<16xf32>,
        %mul3A_397 = arith.mulf %get3A_396, %gather3A_68 : vector<16xf32>
        %add3A_398 = arith.addf %add3A_392, %mul3A_397 : vector<16xf32>
        %get3A_399 = arith.constant 6 : i32
        %get3A_400 = arith.index_cast %get3A_399 : i32 to index
        %get3A_401 = arith.index_cast %mul3A_315 : i32 to index
        %get3A_402 = tpu.vector_load %arg13[%get3A_400, %get3A_401] {strides = array<i32>} : memref<8x1024xf32, #tpu.memory_space<vmem>>, vector<16xf32>,
        %mul3A_403 = arith.mulf %get3A_402, %gather3A_73 : vector<16xf32>
        %add3A_404 = arith.addf %add3A_398, %mul3A_403 : vector<16xf32>
        %get3A_405 = arith.constant 7 : i32
        %get3A_406 = arith.index_cast %get3A_405 : i32 to index
        %get3A_407 = arith.index_cast %mul3A_315 : i32 to index
        %get3A_408 = tpu.vector_load %arg13[%get3A_406, %get3A_407] {strides = array<i32>} : memref<8x1024xf32, #tpu.memory_space<vmem>>, vector<16xf32>,
        %mul3A_409 = arith.mulf %get3A_408, %gather3A_78 : vector<16xf32>
        %add3A_410 = arith.addf %add3A_404, %mul3A_409 : vector<16xf32>
        %swap3A = arith.index_cast %mul3A_315 : i32 to index
        %swap3A_411 = tpu.vector_load %arg17[%swap3A] {strides = array<i32>} : memref<1024xf32, #tpu.memory_space<vmem>>, vector<16xf32>,
        tpu.vector_store %arg17[%swap3A], %add3A_410 {strides = array<i32>} : memref<1024xf32, #tpu.memory_space<vmem>>, vector<16xf32>,
        %scan3A_412 = arith.constant 0 : i32
        scf.yield %scan3A_412 : i32
      }
      %scan3A_296 = arith.constant 64 : i32
      %mul3A_297 = arith.constant 32 : i32
      %mul3A_298 = arith.muli %add3A_271, %mul3A_297 : i32
      %add3A_299 = arith.addi %add3A, %mul3A_298 : i32
      %mul3A_300 = arith.constant 1024 : i32
      %mul3A_301 = arith.muli %add3A_299, %mul3A_300 : i32
      %dma_start3A_302 = tpu.memref_slice %arg4[%mul3A_301] : memref<393216xf32, #tpu.memory_space<hbm>> -> memref<1024xf32, #tpu.memory_space<hbm>>
      %dma_start3A_303 = tpu.memref_slice %arg4[%mul3A_301] : memref<393216xf32, #tpu.memory_space<hbm>> -> memref<1024xf32, #tpu.memory_space<hbm>>
      tpu.enqueue_dma source(%arg17 : memref<1024xf32, #tpu.memory_space<vmem>>) target(%dma_start3A_303 : memref<1024xf32, #tpu.memory_space<hbm>>) target_semaphore(%arg25 : memref<!tpu.dma_semaphore, #tpu.memory_space<semaphore_mem>>)
      %add3A_304 = arith.constant 4 : i32
      %add3A_305 = arith.addi %add3A_271, %add3A_304 : i32
      %lt3A_306 = arith.constant 12 : i32
      %lt3A_307 = arith.cmpi slt, %add3A_305, %lt3A_306 : i32
      %convert_element_type3A_308 = arith.extui %lt3A_307 : i1 to i32
      %cond3A_309 = arith.constant 0 : i32
      %cond3A_310 = arith.cmpi ne, %convert_element_type3A_308, %cond3A_309 : i32
      scf.if %cond3A_310 {
        %add3A_312 = arith.constant 4 : i32
        %add3A_313 = arith.addi %add3A_271, %add3A_312 : i32
        %mul3A_314 = arith.constant 32 : i32
        %mul3A_315 = arith.muli %add3A_313, %mul3A_314 : i32
        %add3A_316 = arith.addi %add3A, %mul3A_315 : i32
        %mul3A_317 = arith.constant 1024 : i32
        %mul3A_318 = arith.muli %add3A_316, %mul3A_317 : i32
        %dma_start3A_319 = arith.constant 0 : i32
        %dma_start3A_320 = tpu.memref_slice %arg2[%dma_start3A_319, %mul3A_318] : memref<16x1000000xf32, #tpu.memory_space<hbm>> -> memref<8x1024xf32, #tpu.memory_space<hbm>>
        %dma_start3A_321 = arith.constant 0 : i32
        %dma_start3A_322 = tpu.memref_slice %arg2[%dma_start3A_321, %mul3A_318] : memref<16x1000000xf32, #tpu.memory_space<hbm>> -> memref<8x1024xf32, #tpu.memory_space<hbm>>
        tpu.enqueue_dma source(%dma_start3A_322 : memref<8x1024xf32, #tpu.memory_space<hbm>>) target(%arg9 : memref<8x1024xf32, #tpu.memory_space<vmem>>) target_semaphore(%arg21 : memref<!tpu.dma_semaphore, #tpu.memory_space<semaphore_mem>>)
        %dma_start3A_323 = arith.constant 8 : i32
        %dma_start3A_324 = tpu.memref_slice %arg2[%dma_start3A_323, %mul3A_318] : memref<16x1000000xf32, #tpu.memory_space<hbm>> -> memref<8x1024xf32, #tpu.memory_space<hbm>>
        %dma_start3A_325 = arith.constant 8 : i32
        %dma_start3A_326 = tpu.memref_slice %arg2[%dma_start3A_325, %mul3A_318] : memref<16x1000000xf32, #tpu.memory_space<hbm>> -> memref<8x1024xf32, #tpu.memory_space<hbm>>
        tpu.enqueue_dma source(%dma_start3A_326 : memref<8x1024xf32, #tpu.memory_space<hbm>>) target(%arg13 : memref<8x1024xf32, #tpu.memory_space<vmem>>) target_semaphore(%arg21 : memref<!tpu.dma_semaphore, #tpu.memory_space<semaphore_mem>>)
      } else {
      }
      %scan3A_311 = arith.constant 0 : i32
      scf.yield %scan3A_311 : i32
    }
    %scan3A_131 = arith.constant 3 : i32
    %dma_wait3A = arith.constant 0 : i32
    %dma_wait3A_132 = tpu.memref_slice %arg4[%dma_wait3A] : memref<393216xf32, #tpu.memory_space<hbm>> -> memref<1024xf32, #tpu.memory_space<hbm>>
    %dma_wait3A_133 = arith.constant 0 : i32
    %dma_wait3A_134 = tpu.memref_slice %arg4[%dma_wait3A_133] : memref<393216xf32, #tpu.memory_space<hbm>> -> memref<1024xf32, #tpu.memory_space<hbm>>
    tpu.wait_dma2 semaphore(%arg22 : memref<!tpu.dma_semaphore, #tpu.memory_space<semaphore_mem>>) src(%arg14 : memref<1024xf32, #tpu.memory_space<vmem>>) dst(%dma_wait3A_134 : memref<1024xf32, #tpu.memory_space<hbm>>)
    %dma_wait3A_135 = arith.constant 0 : i32
    %dma_wait3A_136 = tpu.memref_slice %arg4[%dma_wait3A_135] : memref<393216xf32, #tpu.memory_space<hbm>> -> memref<1024xf32, #tpu.memory_space<hbm>>
    %dma_wait3A_137 = arith.constant 0 : i32
    %dma_wait3A_138 = tpu.memref_slice %arg4[%dma_wait3A_137] : memref<393216xf32, #tpu.memory_space<hbm>> -> memref<1024xf32, #tpu.memory_space<hbm>>
    tpu.wait_dma2 semaphore(%arg23 : memref<!tpu.dma_semaphore, #tpu.memory_space<semaphore_mem>>) src(%arg15 : memref<1024xf32, #tpu.memory_space<vmem>>) dst(%dma_wait3A_138 : memref<1024xf32, #tpu.memory_space<hbm>>)
    %dma_wait3A_139 = arith.constant 0 : i32
    %dma_wait3A_140 = tpu.memref_slice %arg4[%dma_wait3A_139] : memref<393216xf32, #tpu.memory_space<hbm>> -> memref<1024xf32, #tpu.memory_space<hbm>>
    %dma_wait3A_141 = arith.constant 0 : i32
    %dma_wait3A_142 = tpu.memref_slice %arg4[%dma_wait3A_141] : memref<393216xf32, #tpu.memory_space<hbm>> -> memref<1024xf32, #tpu.memory_space<hbm>>
    tpu.wait_dma2 semaphore(%arg24 : memref<!tpu.dma_semaphore, #tpu.memory_space<semaphore_mem>>) src(%arg16 : memref<1024xf32, #tpu.memory_space<vmem>>) dst(%dma_wait3A_142 : memref<1024xf32, #tpu.memory_space<hbm>>)
    %dma_wait3A_143 = arith.constant 0 : i32
    %dma_wait3A_144 = tpu.memref_slice %arg4[%dma_wait3A_143] : memref<393216xf32, #tpu.memory_space<hbm>> -> memref<1024xf32, #tpu.memory_space<hbm>>
    %dma_wait3A_145 = arith.constant 0 : i32
    %dma_wait3A_146 = tpu.memref_slice %arg4[%dma_wait3A_145] : memref<393216xf32, #tpu.memory_space<hbm>> -> memref<1024xf32, #tpu.memory_space<hbm>>
    tpu.wait_dma2 semaphore(%arg25 : memref<!tpu.dma_semaphore, #tpu.memory_space<semaphore_mem>>) src(%arg17 : memref<1024xf32, #tpu.memory_space<vmem>>) dst(%dma_wait3A_146 : memref<1024xf32, #tpu.memory_space<hbm>>)
    return
  }
}

module attributes {stable_mosaic.version = 14 : i64} {
  func.func @_tc_body(%arg0: i32, %arg1: memref<16x65536xf32, #tpu.memory_space<vmem>>, %arg2: memref<1x16xf32, #tpu.memory_space<vmem>>, %arg3: memref<65536xf32, #tpu.memory_space<vmem>>) attributes {dimension_semantics = [#tpu.dimension_semantics<arbitrary>], iteration_bounds = array<i64: 10>, scalar_prefetch = 0 : i64, scratch_operands = 0 : i64, tpu.core_type = #tpu.core_type<tc>, window_params = [{transform_indices = @transform_0, window_bounds = array<i64: 16, 65536>}, {pipeline_mode = #tpu.pipeline_mode<synchronous>, transform_indices = @transform_1, window_bounds = array<i64: 1, 16>}, {transform_indices = @transform_2, window_bounds = array<i64: 65536>}]} {
    %get3A = arith.constant 0 : index
    %get3A_0 = arith.constant 0 : index
    %get3A_1 = vector.load %arg2[%get3A, %get3A_0] : memref<1x16xf32, #tpu.memory_space<vmem>>, vector<1x16xf32>
    %get3A_2 = arith.constant 0 : index
    %get3A_3 = arith.constant 0 : index
    %get3A_4 = vector.load %arg1[%get3A_2, %get3A_3] : memref<16x65536xf32, #tpu.memory_space<vmem>>, vector<16x65536xf32>
    %dot_general3A = arith.constant dense<0.000000e+00> : vector<1x65536xf32>
    %dot_general3A_5 = tpu.matmul %get3A_1, %get3A_4, %dot_general3A {dimension_numbers = #tpu.dot_dimension_numbers<[1], [0], [0], [1], [0, 0, 1, 1], [], []>, transpose_lhs_hint = false} : vector<1x16xf32>, vector<16x65536xf32>, vector<1x65536xf32> -> vector<1x65536xf32>
    %reshape3A = vector.shape_cast %dot_general3A_5 : vector<1x65536xf32> to vector<65536xf32>
    %swap3A = arith.constant 0 : index
    %swap3A_6 = vector.load %arg3[%swap3A] : memref<65536xf32, #tpu.memory_space<vmem>>, vector<65536xf32>
    tpu.vector_store %arg3[%swap3A], %reshape3A {strides = array<i32>} : memref<65536xf32, #tpu.memory_space<vmem>>, vector<65536xf32>,
    return
  }
  func.func @transform_0(%arg0: i32) -> (i32, i32) {
    %add3A = arith.constant 6 : i32
    %add3A_0 = arith.addi %add3A, %arg0 : i32
    %c0_i32 = arith.constant 0 : i32
    %c0_i32_1 = arith.constant 0 : i32
    return %c0_i32, %add3A_0 : i32, i32
  }
  func.func @transform_1(%arg0: i32) -> (i32, i32) {
    %c0_i32 = arith.constant 0 : i32
    %c0_i32_0 = arith.constant 0 : i32
    %c0_i32_1 = arith.constant 0 : i32
    return %c0_i32, %c0_i32_0 : i32, i32
  }
  func.func @transform_2(%arg0: i32) -> i32 {
    %add3A = arith.constant 6 : i32
    %add3A_0 = arith.addi %add3A, %arg0 : i32
    %c0_i32 = arith.constant 0 : i32
    return %add3A_0 : i32
  }
}

</mosaic_0001>

<sc_bundles>
// kernel: kernel.4.cloned.1.call-start
scs
__scs_entry_jumppad:
0x0: {  	(pc) =	sbr.rel $0x88, $3  }
0x1: {  	(tag) =	ssettag $0x0;
	lr =	simm.s32 $0x1  }
0x2: {  	[smem:$0x3F9F] =	sst lr;
	_ =	strace $0xD0000000  }
0x3: {  	_ = 	snop  }
0x4: {  	_ = 	snop  }
0x5: {  	_ = 	snop  }
0x6: {  	_ = 	snop  }
0x7: {  	_ = 	snop  }
__scs_overlays_trampoline_lowered:
0x8: {  	[smem:$0x3FAE] =	sst s0  }
0x9: {  	[smem:$0x3FAF] =	sst s1  }
0xa: {  	[smem:$0x3FB0] =	sst s2  }
0xb: {  	[smem:$0x3FB1] =	sst s3  }
0xc: {  	[smem:$0x3FB2] =	sst s4  }
0xd: {  	[smem:$0x3FB3] =	sst s5  }
0xe: {  	[smem:$0x3FB4] =	sst s6  }
0xf: {  	[smem:$0x3FB5] =	sst s7  }
0x10: {  	[smem:$0x3FB6] =	sst s8  }
0x11: {  	[smem:$0x3FB7] =	sst s9;
	s0 =	simm.s32 @!p0 $0x0  }
0x12: {  	s1 =	sld [smem:$0x3F9D];
	s0 =	simm.s32 @p0 $0x1  }
0x13: {  	[smem:$0x3FB8] =	sst s0;
	s0 =	simm.s32 @!p1 $0x0  }
0x14: {  	s2 =	sld [smem:$0x3F9C];
	s0 =	simm.s32 @p1 $0x1  }
0x15: {  	[smem:$0x3FB9] =	sst s0;
	s0 =	simm.s32 @!p2 $0x0  }
0x16: {  	s3 =	sld [smem:$0x3FDB];
	s0 =	simm.s32 @p2 $0x1  }
0x17: {  	s4 =	simm.s32 $0x1BF5;
	[smem:$0x3FBB] =	sst s0  }
0x18: {  	s0 =	sld [smem:$0x3F9E];
	_ =	swait.ge [sflag:s4], $0x0  }
0x19: {  	s7 =	sld [smem:$0x3F9F]  }
0x1a: {  	s8 =	sadd.s32 $0xFFFFE003, lr  }
0x1b: {  	s9 =	sadd.s32 $0xFFFFFEF7, lr;
	s5 =	simm.s32 $0xFFFFFFFF;
	p2 =	slt.u32 s8, $0xFFFFF086  }
0x1c: {  	p1 =	slt.u32 s9, $0xF7A;
	s5 =	simm.s32 @!p2 $0x0  }
0x1d: {  	s5 =	simm.s32 @p1 $0x1;
	p0 =	seq.s32 s7, s2  }
0x1e: {  	s7 =	smul.u32 @!p0 $0xF7A, s2;
	p2 =	seq.s32 @!p0 s5, $0x0  }
0x1f: {  	s9 =	smul.u32 $0xF7A, s1;
	s8 =	simm.s32 @!p0 $0x1BF5;
	p2 =	por !p2, p0  }
0x20: {  	[sflag:s8] =	ssyncset.s32 @!p0 $0xFFFFF086;
	s6 =	sadd.s32 @!p0 s3, s7;
	s7 =	simm.s32 @!p0 $0x108  }
0x21: {  	s3 =	sadd.s32 s3, s9;
	s6 =	sadd.s32 @!p0 $0x88, s6;
	s7 =	simm.s32 @p2 $0x1082  }
0x22: {  	[simem:s7], [sflag:s8] =	dma.local @!p0 [hbm:s6], $0xF7A  }
0x23: {  	s9 =	sor.u32 $0xD0000000, s2;
	s6 =	simm.s32 $0x108;
	_ =	swait.ge @!p0 [sflag:s8], $0x0  }
0x24: {  	s3 =	sadd.s32 $0x88, s3;
	s6 =	simm.s32 @!p1 $0x1082;
	[sflag:s4] =	ssyncset.s32 $0xFFFFF086  }
0x25: {  	[simem:s6], [sflag:s4] =	dma.local [hbm:s3], $0xF7A  }
0x26: {  	[smem:$0x3F9F] =	sst s1;
	(tag) =	ssettag s2;
	_ =	strace s9  }
0x27: {  	s1 =	sld [smem:$0x3FAF]  }
0x28: {  	s2 =	sld [smem:$0x3FB0]  }
0x29: {  	s4 =	sld [smem:$0x3FB2]  }
0x2a: {  	p0 =	seq.s32 s5, $0x0;
	s5 =	sld [smem:$0x3FB3]  }
0x2b: {  	s6 =	sld [smem:$0x3FB4]  }
0x2c: {  	s7 =	sld [smem:$0x3FB5]  }
0x2d: {  	s3 =	simm.s32 $0x108;
	s8 =	sld [smem:$0x3FB6]  }
0x2e: {  	s3 =	simm.s32 @!p0 $0x1082;
	s9 =	sld [smem:$0x3FB7]  }
0x2f: {  	lr =	sadd.s32 s0, s3;
	s0 =	sld [smem:$0x3FAE]  }
0x30: {  	s3 =	sld [smem:$0x3FB1]  }
0x31: {  	[smem:$0x3FBA] =	sst s10  }
0x32: {  	s10 =	sld [smem:$0x3FB8];
	_ =	sdelay $0x3  }
0x33: {  	p0 =	seq.s32 s10, $0x1;
	s10 =	sld [smem:$0x3FBA];
	_ =	sdelay $0x3  }
0x34: {  	[smem:$0x3FBA] =	sst s10  }
0x35: {  	s10 =	sld [smem:$0x3FB9];
	_ =	sdelay $0x3  }
0x36: {  	p1 =	seq.s32 s10, $0x1;
	s10 =	sld [smem:$0x3FBA];
	_ =	sdelay $0x3  }
0x37: {  	[smem:$0x3FBA] =	sst s10  }
0x38: {  	s10 =	sld [smem:$0x3FBB]  }
0x39: {  	_ = 	snop;
	(pc) =	sbr.ind lr, $3  }
0x3a: {  	_ = 	snop  }
0x3b: {  	_ = 	snop  }
0x3c: {  	p2 =	seq.s32 s10, $0x1;
	s10 =	sld [smem:$0x3FBA]  }
0x3d: {  	_ =	shalt  }
0x3e: {  	_ =	shalt  }
0x3f: {  	_ =	shalt  }
0x40: {  	_ =	shalt  }
0x41: {  	_ =	shalt  }
0x42: {  	_ =	shalt  }
0x43: {  	_ =	shalt  }
0x44: {  	_ =	shalt  }
0x45: {  	_ =	shalt  }
0x46: {  	_ =	shalt  }
0x47: {  	_ =	shalt  }
0x48: {  	_ =	shalt  }
0x49: {  	_ =	shalt  }
0x4a: {  	_ =	shalt  }
0x4b: {  	_ =	shalt  }
0x4c: {  	_ =	shalt  }
0x4d: {  	_ =	shalt  }
0x4e: {  	_ =	shalt  }
0x4f: {  	_ =	shalt  }
0x50: {  	_ =	shalt  }
0x51: {  	_ =	shalt  }
0x52: {  	_ =	shalt  }
0x53: {  	_ =	shalt  }
0x54: {  	_ =	shalt  }
0x55: {  	_ =	shalt  }
0x56: {  	_ =	shalt  }
0x57: {  	_ =	shalt  }
0x58: {  	_ =	shalt  }
0x59: {  	_ =	shalt  }
0x5a: {  	_ =	shalt  }
0x5b: {  	_ =	shalt  }
0x5c: {  	_ =	shalt  }
0x5d: {  	_ =	shalt  }
0x5e: {  	_ =	shalt  }
0x5f: {  	_ =	shalt  }
0x60: {  	_ =	shalt  }
0x61: {  	_ =	shalt  }
0x62: {  	_ =	shalt  }
0x63: {  	_ =	shalt  }
0x64: {  	_ =	shalt  }
0x65: {  	_ =	shalt  }
0x66: {  	_ =	shalt  }
0x67: {  	_ =	shalt  }
0x68: {  	_ =	shalt  }
0x69: {  	_ =	shalt  }
0x6a: {  	_ =	shalt  }
0x6b: {  	_ =	shalt  }
0x6c: {  	_ =	shalt  }
0x6d: {  	_ =	shalt  }
0x6e: {  	_ =	shalt  }
0x6f: {  	_ =	shalt  }
0x70: {  	_ =	shalt  }
0x71: {  	_ =	shalt  }
0x72: {  	_ =	shalt  }
0x73: {  	_ =	shalt  }
0x74: {  	_ =	shalt  }
0x75: {  	_ =	shalt  }
0x76: {  	_ =	shalt  }
0x77: {  	_ =	shalt  }
0x78: {  	_ =	shalt  }
0x79: {  	_ =	shalt  }
0x7a: {  	_ =	shalt  }
0x7b: {  	_ =	shalt  }
0x7c: {  	_ =	shalt  }
0x7d: {  	_ =	shalt  }
0x7e: {  	_ =	shalt  }
0x7f: {  	_ =	shalt  }
0x80: {  	_ =	shalt  }
0x81: {  	_ =	shalt  }
0x82: {  	_ =	shalt  }
0x83: {  	_ =	shalt  }
0x84: {  	_ =	shalt  }
0x85: {  	_ =	shalt  }
0x86: {  	_ =	shalt  }
0x87: {  	_ =	shalt  }
.Lfunc_end0:
.L_simem_size_0:
called_computation_lowered:
.L_overlay_start_0:
0x88: {  	s2 =	sld [smem:$0x3FD9]  }
0x89: {  	s3 =	sld [smem:$0x3FFE];
	_ =	sdelay $0x1  }
0x8a: {  	s1 =	srdreg.scid  }
0x8b: {  	s0 =	sand.u32 $0x1, s1  }
0x8c: {  	s17 =	sshll.u32 s0, $0xA;
	s2 =	sadd.s32 s3, s2  }
0x8d: {  	s2 =	sadd.s32 s2, s17  }
0x8e: {  	[smem:$0x3FC6] =	sst s2  }
0x8f: {  	_ = 	snop  }
0x90: {  	s2 =	sld [smem:$0x3FC9]  }
0x91: {  	s18 =	sld [smem:$0x3FC8];
	(tm) =	ssettm $0x1  }
0x92: {  	s4 =	sld [smem:$0x3FFB];
	_ =	sdelay $0x3  }
0x93: {  	_ =	strace s4  }
0x94: {  	s4 =	sld [smem:$0x3FFC];
	_ =	sdelay $0x3  }
0x95: {  	_ =	strace s4  }
0x96: {  	s4 =	sld [smem:$0x3FFD];
	_ =	sdelay $0x3  }
0x97: {  	_ =	strace s4  }
0x98: {  	_ =	strace $0x8FFFFFFF  }
0x99: {  	s19 =	sld [smem:$0x3FDB];
	_ =	sdelay $0x1  }
0x9a: {  	s5 =	simm.s32 $_scs_section_size  }
0x9b: {  	s6 =	simm.s32 $_size__tile_overlayer_lowered;
	s7 =	simm.s32 $_tile_overlayer_lowered  }
0x9c: {  	s22 =	simm.s32 $0x1BFF;
	s21 =	sshll.u32 s7, $0x1;
	s4 =	sadd.s32 s5, s19  }
0x9d: {  	s8 =	simm.s32 $0x0;
	s20 =	sshll.u32 s6, $0x1;
	s6 =	sadd.s32 s21, s4  }
0x9e: {  	[timem:s8], [sflag:s22] =	dma.local [hbm:s6], s20  }
0x9f: {  	_ =	swait.ge [sflag:s22], s20  }
0xa0: {  	s5 =	ssub.s32 $0x0, s20;
	[sflag:s22] =	ssyncset.done $0x0  }
0xa1: {  	[sflag:s22] =	ssyncadd.s32 s5;
	_ =	sdelay $0x1  }
0xa2: {  	s23 =	simm.s32 $0x1B8B  }
0xa3: {  	_ =	swait.ge [sflag:s23], $0x1  }
0xa4: {  	[sflag:s23] =	ssyncset.done $0x0  }
0xa5: {  	s25 =	simm.s32 $0x1B8E;
	s24 =	sld [smem:$0x3FFE];
	[sflag:s23] =	ssyncadd.s32 $0xFFFFFFFF  }
0xa6: {  	s26 =	simm.s32 $execute0_lowered;
	[smem:$0x3FD2] =	sst s25  }
0xa7: {  	s6 =	sshll.u32 s26, $0x1;
	_ =	strace $0x80000046;
	[dreg:$0x1] =	wrdreg $0xFFFFFFFF  }
0xa8: {  	s28 =	simm.s32 $_size_execute0_lowered;
	s4 =	sadd.s32 s4, s6;
	[dreg:$0x0] =	wrdreg $0x0  }
0xa9: {  	s6 =	sshll.u32 s28, $0x1;
	[dreg:$0x2] =	wrdreg s4  }
0xaa: {  	[dreg:$0x3] =	wrdreg s6  }
0xab: {  	[dreg:$0x4] =	wrdreg $0xC0  }
0xac: {  	_ =	task [dreg:s8], $0x5FFFF  }
0xad: {  	[dreg:$0x1] =	wrdreg $0xFFFFFFFF  }
0xae: {  	[dreg:$0x0] =	wrdreg $0x60  }
0xaf: {  	[dreg:$0x2] =	wrdreg s2  }
0xb0: {  	[dreg:$0x3] =	wrdreg s18  }
0xb1: {  	[dreg:$0x4] =	wrdreg s24  }
0xb2: {  	[dreg:$0x5] =	wrdreg $0x9  }
0xb3: {  	_ =	task.clear_ibuf [dreg:s8], $0x6FFFF;
	_ =	strace $0x90000046  }
0xb4: {  	s29 =	simm.s32 $0x9;
	_ =	strace $0x80000048  }
0xb5: {  	_ =	swait.ge [sflag:s29], $0x1  }
0xb6: {  	[sflag:s29] =	ssyncadd.s32 $0xFFFFFFFF  }
0xb7: {  	_ =	strace $0x90000048  }
0xb8: {  	_ =	sfence  }
0xb9: {  	s30 =	sld [smem:$0x0];
	_ =	sdelay $0x2  }
0xba: {  	s31 =	sshll.u32 s1, $0xD;
	s1 =	sshrl.u32 s1, $0x2  }
0xbb: {  	s3 =	sand.u32 $0x4000, s31;
	s1 =	sadd.s32 s1, s30  }
0xbc: {  	s0 =	sor.u32 s3, s0;
	s1 =	sshll.u32 s1, $0x11  }
0xbd: {  	s0 =	sor.u32 s1, s0  }
0xbe: {  	s0 =	sadd.s32 $0x8F2B, s0  }
0xbf: {  	[sflag:s0] =	ssyncadd.remote.s32 $0x1  }
0xc0: {  	_ =	sfence.sel $0xFFFF  }
0xc1: {  	[dreg:$0x0] =	wrdreg $0xFFFFFFFF;
	(pc) =	sbr.abs _section_cstart, $3  }
0xc2: {  	[dreg:$0x1] =	wrdreg $0xFFFFFFFF  }
0xc3: {  	_ =	task.clear_ibuf [dreg:s8], $0x2FFFF;
	_ =	strace $0x9FFFFFFF  }
0xc4: {  	(tm) =	ssettm $0x7FFFFFFF  }
0xc5: {  	_ =	shalt  }
tec
execute0_lowered:
.L_overlay_start_1:
0x0: {  	(tag) =	ssettag $0x1  }
0x1: {  	s1 =	rddreg [dreg:$0x0]  }
0x2: {  	s0 =	rddreg [dreg:$0x2]  }
0x3: {  	s4 =	simm.s32 $0x0;
	s2 =	srdreg.scid;
	s3 =	stileid.u32  }
0x4: {  	s29 =	simm.s32 $0x6080;
	s30 =	simm.s32 $0xE080;
	s31 =	simm.s32 $0x1  }
0x5: {  	s9 =	simm.s32 $0x0;
	[smem:$0x7FF] =	sst s4;
	s2 =	sand.u32 $0x1, s2  }
0x6: {  	s3 =	sshll.u32 s3, $0x1;
	s5 =	sadd.s32 $0x600, s0;
	_ =	strace $0x80000047  }
0x7: {  	s3 =	sor.u32 s2, s3;
	s21 =	ssub.s32 $0x2, s2;
	s2 =	simm.s32 $0x10480  }
0x8: {  	s22 =	sshll.u32 s3, $0xD;
	s6 =	sshrl.u32 s21, $0x1;
	s7 =	sshll.u32 s3, $0xA  }
0x9: {  	s14 =	sshll.u32 s3, $0x7;
	s3 =	simm.s32 $0x2;
	s8 =	sshrl.u32 s22, $0x3  }
0xa: {  	s0 =	ssub.s32 s21, s6;
	s7 =	sadd.s32 s1, s7;
	s15 =	sor.u32 $0x100000, s22  }
0xb: {  	s16 =	sor.u32 $0x140000, s22;
	s17 =	sor.u32 $0x180000, s22;
	s18 =	sor.u32 $0x1C0000, s22  }
0xc: {  	s19 =	sadd.s32 s5, s14;
	s24 =	sadd.s32 $0x8000, s7;
	[dreg:$0x4] =	wrdreg s7  }
0xd: {  	s22 =	simm.s32 $0x3;
	s26 =	sadd.s32 $0x10000, s7;
	[dreg:$0x6] =	wrdreg s24  }
0xe: {  	s23 =	sadd.s32 s1, s8;
	s7 =	sadd.s32 $0x18000, s7;
	[dreg:$0x8] =	wrdreg s26  }
0xf: {  	v0 =	vimm.s32 $0x0;
	s0 =	smax.u32 s0, $0x1;
	s8 =	sadd.s32 $0xF4280, s23;
	[dreg:$0xa] =	wrdreg s7  }
.Ltmp0:
0x10: {  	v1 =	vimm.s32 $0x1;
	v2 =	vimm.s32 $0x2;
	v3 =	vimm.s32 $0x3;
	s25 =	sadd.s32 $0xFC280, s23;
	[dreg:$0xc] =	wrdreg s0;
	(pc) =	sbr.rel .LBB2_1-.Ltmp0, $4  }
0x11: {  	v4 =	vimm.s32 $0x4;
	v5 =	vimm.s32 $0x5;
	v6 =	vimm.s32 $0x6;
	s28 =	sadd.s32 $0x104280, s23;
	s6 =	sadd.s32 $0x10C280, s23;
	[dreg:$0x5] =	wrdreg s8  }
0x12: {  	v7 =	vimm.s32 $0x7;
	v8 =	vimm.s32 $0x8;
	v9 =	vimm.s32 $0x9;
	s0 =	simm.s32 $0x10080;
	s23 =	simm.s32 $0x10880;
	[dreg:$0x7] =	wrdreg s25  }
0x13: {  	v10 =	vimm.s32 $0xA;
	v11 =	vimm.s32 $0xB;
	v12 =	vimm.s32 $0xC;
	s24 =	simm.s32 $0x4;
	s7 =	simm.s32 $0x7;
	[dreg:$0x9] =	wrdreg s28  }
0x14: {  	v13 =	vimm.s32 $0xD;
	v14 =	vimm.s32 $0xE;
	v15 =	vimm.s32 $0xF;
	[dreg:$0xb] =	wrdreg s6;
	s25 =	simm.s32 $0x10C80;
	s8 =	simm.s32 $0x8  }
.LBB2_12:
0x15: {  	s6 =	simm.s32 $0x5  }
0x16: {  	_ =	swait.ge [sflag:s6], $0x400  }
0x17: {  	[sflag:s6] =	ssyncset.done $0x0  }
0x18: {  	s26 =	simm.s32 $0x6;
	[sflag:s6] =	ssyncadd.s32 $0xFFFFFC00  }
0x19: {  	_ =	swait.ge [sflag:s26], $0x400  }
0x1a: {  	[sflag:s26] =	ssyncset.done $0x0  }
0x1b: {  	[sflag:s26] =	ssyncadd.s32 $0xFFFFFC00  }
0x1c: {  	_ =	swait.ge [sflag:s7], $0x400  }
0x1d: {  	[sflag:s7] =	ssyncset.done $0x0  }
0x1e: {  	[sflag:s7] =	ssyncadd.s32 $0xFFFFFC00  }
0x1f: {  	_ =	swait.ge [sflag:s8], $0x400  }
0x20: {  	s9 =	sadd.s32 $0x1, s9;
	s28 =	rddreg [dreg:$0xc]  }
0x21: {  	p0 =	sne.s32 s9, s28  }
.Ltmp1:
0x22: {  	_ = 	snop;
	(pc) =	sbr.rel @!p0 .LBB2_13-.Ltmp1, $3  }
0x23: {  	_ =	sdelay $0x1  }
0x24: {  	[sflag:s8] =	ssyncset.done $0x0  }
0x25: {  	[sflag:s8] =	ssyncadd.s32 $0xFFFFFC00  }
.LBB2_1:
0x26: {  	s6 =	rddreg [dreg:$0x1];
	s12 =	simm.s32 $0x9  }
0x27: {  	[tilespmem:s4], [sflag:$0x9] =	stream.linear.gather [hbm4b:s6+s4], $0x80, $0x38;
	[tilespmem:$0x11080] =	vst v63  }
0x28: {  	_ =	swait.ge [sflag:s12], $0x80  }
0x29: {  	[sflag:s12] =	ssyncset.done $0x0  }
0x2a: {  	s10 =	simm.s32 $0x80;
	s13 =	rddreg [dreg:$0x4];
	[sflag:s12] =	ssyncadd.s32 $0xFFFFFF80  }
0x2b: {  	v31 =	vld [tilespmem:$0x0];
	[tilespmem:s10], [sflag:$0x1] =	stream.linear.gather [hbm4b:s13+s4], $0x2000, $0x38  }
0x2c: {  	s21 =	simm.s32 $0x8080;
	s20 =	rddreg [dreg:$0x5]  }
0x2d: {  	[tilespmem:s21], [sflag:$0x1] =	stream.linear.gather [hbm4b:s20+s4], $0x2000, $0x38;
	[tilespmem:$0x11080] =	vst v63  }
0x2e: {  	s28 =	simm.s32 $0x2080;
	s26 =	rddreg [dreg:$0x6]  }
0x2f: {  	[tilespmem:s28], [sflag:$0x2] =	stream.linear.gather [hbm4b:s26+s4], $0x2000, $0x38;
	[tilespmem:$0x11080] =	vst v63  }
0x30: {  	s11 =	simm.s32 $0xA080;
	s10 =	rddreg [dreg:$0x7]  }
0x31: {  	[tilespmem:s11], [sflag:$0x2] =	stream.linear.gather [hbm4b:s10+s4], $0x2000, $0x38;
	[tilespmem:$0x11080] =	vst v63  }
0x32: {  	s12 =	rddreg [dreg:$0x8];
	s13 =	simm.s32 $0x4080;
	v16 =	vperm.xlane v31, v0;
	v17 =	vperm.xlane v31, v1  }
0x33: {  	v18 =	vperm.xlane v31, v2;
	v19 =	vperm.xlane v31, v3;
	[tilespmem:s13], [sflag:$0x3] =	stream.linear.gather [hbm4b:s12+s4], $0x2000, $0x38;
	[tilespmem:$0x11080] =	vst v63  }
0x34: {  	s20 =	rddreg [dreg:$0x9];
	s21 =	simm.s32 $0xC080;
	v20 =	vperm.xlane v31, v4;
	v21 =	vperm.xlane v31, v5  }
0x35: {  	v22 =	vperm.xlane v31, v6;
	v23 =	vperm.xlane v31, v7;
	[tilespmem:s21], [sflag:$0x3] =	stream.linear.gather [hbm4b:s20+s4], $0x2000, $0x38;
	[tilespmem:$0x11080] =	vst v63  }
0x36: {  	s26 =	rddreg [dreg:$0xa];
	v24 =	vperm.xlane v31, v8;
	v25 =	vperm.xlane v31, v9  }
0x37: {  	v26 =	vperm.xlane v31, v10;
	v27 =	vperm.xlane v31, v11;
	[tilespmem:s29], [sflag:$0x4] =	stream.linear.gather [hbm4b:s26+s4], $0x2000, $0x38;
	[tilespmem:$0x11080] =	vst v63  }
0x38: {  	s28 =	rddreg [dreg:$0xb];
	v28 =	vperm.xlane v31, v12;
	v29 =	vperm.xlane v31, v13;
	s10 =	simm.s32 $0x0  }
0x39: {  	v30 =	vperm.xlane v31, v14;
	v31 =	vperm.xlane v31, v15;
	[tilespmem:s30], [sflag:$0x4] =	stream.linear.gather [hbm4b:s28+s4], $0x2000, $0x38;
	[tilespmem:$0x11080] =	vst v63  }
.LBB2_2:
0x3a: {  	_ =	swait.ge [sflag:s31], $0x2000  }
0x3b: {  	[sflag:s31] =	ssyncset.done $0x0  }
0x3c: {  	[sflag:s31] =	ssyncadd.s32 $0xFFFFE000  }
0x3d: {  	_ =	swait.ge [sflag:s31], $0x2000  }
0x3e: {  	p0 =	seq.s32 s10, $0x0;
	[sflag:s31] =	ssyncset.done $0x0  }
0x3f: {  	s6 =	simm.s32 @!p0 $0x5;
	[sflag:s31] =	ssyncadd.s32 $0xFFFFE000  }
0x40: {  	s11 =	simm.s32 $0x0;
	_ =	swait.ge @!p0 [sflag:s6], $0x400  }
0x41: {  	s12 =	sand.u32 $0x70, s11;
	s13 =	sand.u32 $0x1C00, s11;
	[sflag:s6] =	ssyncset.done @!p0 $0x0  }
0x42: {  	s28 =	sor.u32 s12, s13;
	[sflag:s6] =	ssyncadd.s32 @!p0 $0xFFFFFC00  }
0x43: {  	v32 =	vld [tilespmem:s28+$0x80]  }
0x44: {  	v33 =	vld [tilespmem:s28+$0x100];
	_ =	sdelay $0x1  }
0x45: {  	v34 =	vld [tilespmem:s28+$0x180];
	_ =	sdelay $0x1  }
0x46: {  	v35 =	vld [tilespmem:s28+$0x200]  }
0x47: {  	v32 =	vmul.f32 v32, v16;
	v33 =	vmul.f32 v33, v17  }
0x48: {  	v36 =	vld [tilespmem:s28+$0x280]  }
0x49: {  	v39 =	vmul.f32 v34, v18;
	v32 =	vadd.f32 v33, v32  }
0x4a: {  	v40 =	vld [tilespmem:s28+$0x300]  }
0x4b: {  	v41 =	vmul.f32 v35, v19;
	v32 =	vadd.f32 v39, v32  }
0x4c: {  	s11 =	sor.u32 s11, s11;
	v42 =	vld [tilespmem:s28+$0x380]  }
0x4d: {  	s11 =	sor.u32 $0x380, s11;
	v43 =	vmul.f32 v36, v20;
	v32 =	vadd.f32 v41, v32  }
0x4e: {  	v44 =	vld [tilespmem:s11+$0x80]  }
0x4f: {  	v45 =	vmul.f32 v40, v21;
	v32 =	vadd.f32 v43, v32  }
0x50: {  	v46 =	vld [tilespmem:s28+$0x8080]  }
0x51: {  	v47 =	vmul.f32 v42, v22;
	v32 =	vadd.f32 v45, v32  }
0x52: {  	v48 =	vld [tilespmem:s28+$0x8100]  }
0x53: {  	v49 =	vmul.f32 v44, v23;
	v32 =	vadd.f32 v47, v32  }
0x54: {  	v50 =	vld [tilespmem:s28+$0x8180]  }
0x55: {  	v51 =	vmul.f32 v46, v24;
	v32 =	vadd.f32 v49, v32  }
0x56: {  	v52 =	vld [tilespmem:s28+$0x8200]  }
0x57: {  	v53 =	vmul.f32 v48, v25;
	v32 =	vadd.f32 v51, v32  }
0x58: {  	v54 =	vld [tilespmem:s28+$0x8280]  }
0x59: {  	v55 =	vmul.f32 v50, v26;
	v32 =	vadd.f32 v53, v32  }
0x5a: {  	v56 =	vld [tilespmem:s28+$0x8300]  }
0x5b: {  	v57 =	vmul.f32 v52, v27;
	v32 =	vadd.f32 v55, v32  }
0x5c: {  	v58 =	vld [tilespmem:s28+$0x8380]  }
0x5d: {  	v59 =	vmul.f32 v54, v28;
	v32 =	vadd.f32 v57, v32  }
0x5e: {  	v60 =	vld [tilespmem:s11+$0x8080]  }
0x5f: {  	v61 =	vmul.f32 v56, v29;
	v32 =	vadd.f32 v59, v32;
	_ =	sdelay $0x1  }
0x60: {  	v62 =	vmul.f32 v58, v30;
	v32 =	vadd.f32 v61, v32;
	_ =	sdelay $0x1  }
0x61: {  	v63 =	vmul.f32 v60, v31;
	v32 =	vadd.f32 v62, v32  }
0x62: {  	s20 =	simm.s32 $0x10  }
0x63: {  	s21 =	sand.u32 $0x70, s20;
	s6 =	simm.s32 $0x80;
	v32 =	vadd.f32 v63, v32  }
0x64: {  	s13 =	simm.s32 $0x10080;
	s12 =	sshll.u32 s10, $0xE;
	s26 =	sand.u32 $0x1C00, s6  }
0x65: {  	s11 =	sshll.u32 s10, $0x14;
	s21 =	sor.u32 s21, s26;
	s26 =	simm.s32 $0x20;
	[tilespmem:s13+$0x0] =	vst v32  }
.LBB2_3:
0x66: {  	p1 =	sne.s32 s26, $0x3F0;
	v32 =	vld [tilespmem:s21+$0x80]  }
0x67: {  	v33 =	vld [tilespmem:s21+$0x100];
	_ =	sdelay $0x1  }
0x68: {  	v34 =	vld [tilespmem:s21+$0x180];
	_ =	sdelay $0x1  }
0x69: {  	v35 =	vld [tilespmem:s21+$0x200]  }
0x6a: {  	v32 =	vmul.f32 v32, v16;
	v33 =	vmul.f32 v33, v17  }
0x6b: {  	v36 =	vld [tilespmem:s21+$0x280]  }
0x6c: {  	v32 =	vadd.f32 v33, v32;
	v33 =	vmul.f32 v34, v18  }
0x6d: {  	v34 =	vld [tilespmem:s21+$0x300]  }
0x6e: {  	v32 =	vadd.f32 v33, v32;
	v33 =	vmul.f32 v35, v19  }
0x6f: {  	s28 =	sor.u32 s6, s20;
	s20 =	smov.u32 s26;
	v35 =	vld [tilespmem:s21+$0x380]  }
0x70: {  	s28 =	sor.u32 $0x380, s28;
	v32 =	vadd.f32 v33, v32;
	v33 =	vmul.f32 v36, v20  }
0x71: {  	v36 =	vld [tilespmem:s28+$0x80]  }
0x72: {  	v32 =	vadd.f32 v33, v32;
	v33 =	vmul.f32 v34, v21  }
0x73: {  	v34 =	vld [tilespmem:s21+$0x8080]  }
0x74: {  	v32 =	vadd.f32 v33, v32;
	v33 =	vmul.f32 v35, v22  }
0x75: {  	v35 =	vld [tilespmem:s21+$0x8100]  }
0x76: {  	v32 =	vadd.f32 v33, v32;
	v33 =	vmul.f32 v36, v23  }
0x77: {  	v36 =	vld [tilespmem:s21+$0x8180]  }
0x78: {  	v32 =	vadd.f32 v33, v32;
	v33 =	vmul.f32 v34, v24  }
0x79: {  	v34 =	vld [tilespmem:s21+$0x8200]  }
0x7a: {  	v32 =	vadd.f32 v33, v32;
	v33 =	vmul.f32 v35, v25  }
0x7b: {  	v35 =	vld [tilespmem:s21+$0x8280]  }
0x7c: {  	v32 =	vadd.f32 v33, v32;
	v33 =	vmul.f32 v36, v26  }
0x7d: {  	v36 =	vld [tilespmem:s21+$0x8300]  }
0x7e: {  	v32 =	vadd.f32 v33, v32;
	v33 =	vmul.f32 v34, v27  }
0x7f: {  	v34 =	vld [tilespmem:s21+$0x8380]  }
0x80: {  	v32 =	vadd.f32 v33, v32;
	v33 =	vmul.f32 v35, v28  }
0x81: {  	v35 =	vld [tilespmem:s28+$0x8080]  }
0x82: {  	v32 =	vadd.f32 v33, v32;
	v33 =	vmul.f32 v36, v29;
	_ =	sdelay $0x1  }
0x83: {  	v32 =	vadd.f32 v33, v32;
	v33 =	vmul.f32 v34, v30;
	_ =	sdelay $0x1  }
.Ltmp2:
0x84: {  	v32 =	vadd.f32 v33, v32;
	v33 =	vmul.f32 v35, v31;
	(pc) =	sbr.rel @p1 .LBB2_3-.Ltmp2, $4  }
0x85: {  	_ = 	snop  }
0x86: {  	s6 =	sadd.s32 $0x80, s6;
	v32 =	vadd.f32 v33, v32  }
0x87: {  	s13 =	sadd.s32 $0x10, s13;
	s21 =	sand.u32 $0x70, s26;
	s28 =	sand.u32 $0x1C00, s6  }
0x88: {  	s26 =	sadd.s32 $0x10, s26;
	s21 =	sor.u32 s21, s28;
	[tilespmem:s13+$0x0] =	vst v32  }
0x89: {  	v32 =	vld [tilespmem:s21+$0x80]  }
0x8a: {  	v33 =	vld [tilespmem:s21+$0x100];
	_ =	sdelay $0x1  }
0x8b: {  	v34 =	vld [tilespmem:s21+$0x180];
	_ =	sdelay $0x1  }
0x8c: {  	v35 =	vld [tilespmem:s21+$0x200]  }
0x8d: {  	v32 =	vmul.f32 v32, v16;
	v33 =	vmul.f32 v33, v17  }
0x8e: {  	v36 =	vld [tilespmem:s21+$0x280]  }
0x8f: {  	v58 =	vmul.f32 v34, v18;
	v32 =	vadd.f32 v33, v32  }
0x90: {  	v59 =	vld [tilespmem:s21+$0x300]  }
0x91: {  	v60 =	vmul.f32 v35, v19;
	v32 =	vadd.f32 v58, v32  }
0x92: {  	v61 =	vld [tilespmem:s21+$0x380];
	s6 =	sor.u32 s6, s20  }
0x93: {  	s6 =	sor.u32 $0x380, s6;
	v62 =	vmul.f32 v36, v20;
	v32 =	vadd.f32 v60, v32  }
0x94: {  	v63 =	vld [tilespmem:s6+$0x80]  }
0x95: {  	v40 =	vmul.f32 v59, v21;
	v32 =	vadd.f32 v62, v32  }
0x96: {  	v41 =	vld [tilespmem:s21+$0x8080]  }
0x97: {  	v42 =	vmul.f32 v61, v22;
	v32 =	vadd.f32 v40, v32  }
0x98: {  	v43 =	vld [tilespmem:s21+$0x8100]  }
0x99: {  	v44 =	vmul.f32 v63, v23;
	v32 =	vadd.f32 v42, v32  }
0x9a: {  	v45 =	vld [tilespmem:s21+$0x8180]  }
0x9b: {  	v46 =	vmul.f32 v41, v24;
	v32 =	vadd.f32 v44, v32  }
0x9c: {  	v47 =	vld [tilespmem:s21+$0x8200]  }
0x9d: {  	v48 =	vmul.f32 v43, v25;
	v32 =	vadd.f32 v46, v32  }
0x9e: {  	v49 =	vld [tilespmem:s21+$0x8280]  }
0x9f: {  	v50 =	vmul.f32 v45, v26;
	v32 =	vadd.f32 v48, v32  }
0xa0: {  	v51 =	vld [tilespmem:s21+$0x8300]  }
0xa1: {  	v52 =	vmul.f32 v47, v27;
	v32 =	vadd.f32 v50, v32  }
0xa2: {  	v53 =	vld [tilespmem:s21+$0x8380]  }
0xa3: {  	v54 =	vmul.f32 v49, v28;
	v32 =	vadd.f32 v52, v32  }
0xa4: {  	v55 =	vld [tilespmem:s6+$0x8080]  }
0xa5: {  	v56 =	vmul.f32 v51, v29;
	v32 =	vadd.f32 v54, v32;
	_ =	sdelay $0x1  }
0xa6: {  	v57 =	vmul.f32 v53, v30;
	v32 =	vadd.f32 v56, v32;
	_ =	sdelay $0x1  }
0xa7: {  	v58 =	vmul.f32 v55, v31;
	v32 =	vadd.f32 v57, v32;
	_ =	sdelay $0x1  }
0xa8: {  	p1 =	seq.s32 s10, $0x2;
	v32 =	vadd.f32 v58, v32  }
0xa9: {  	s20 =	sadd.s32 $0x10, s13;
	s6 =	sadd.s32 @!p1 s15, s11  }
0xaa: {  	s21 =	sadd.s32 s12, s19;
	s6 =	sshrl.u32 @!p1 s6, $0x3;
	[tilespmem:s20+$0x0] =	vst v32  }
0xab: {  	[hbm4b:s21+s4] =	stream.linear.scatter [tilespmem:s0], [sflag:$0x5], $0x400, $0x38;
	[tilespmem:$0x11080] =	vst v63  }
0xac: {  	s13 =	simm.s32 @!p1 $0x0;
	s6 =	sadd.s32 @!p1 s1, s6;
	s20 =	simm.s32 @!p1 $0x80  }
0xad: {  	[tilespmem:s20], [sflag:$0x1] =	stream.linear.gather @!p1 [hbm4b:s6+s13], $0x2000, $0x38;
	[tilespmem:$0x11080] =	vst v63  }
0xae: {  	s6 =	sadd.s32 @!p1 $0xF4280, s6;
	s20 =	simm.s32 @!p1 $0x8080  }
0xaf: {  	[tilespmem:s20], [sflag:$0x1] =	stream.linear.gather @!p1 [hbm4b:s6+s13], $0x2000, $0x38;
	[tilespmem:$0x11080] =	vst v63  }
0xb0: {  	_ =	swait.ge [sflag:s3], $0x2000  }
0xb1: {  	[sflag:s3] =	ssyncset.done $0x0  }
0xb2: {  	[sflag:s3] =	ssyncadd.s32 $0xFFFFE000  }
0xb3: {  	_ =	swait.ge [sflag:s3], $0x2000  }
0xb4: {  	[sflag:s3] =	ssyncset.done $0x0  }
0xb5: {  	s6 =	simm.s32 @!p0 $0x6;
	[sflag:s3] =	ssyncadd.s32 $0xFFFFE000  }
0xb6: {  	s13 =	simm.s32 $0x0;
	_ =	swait.ge @!p0 [sflag:s6], $0x400  }
0xb7: {  	s26 =	sand.u32 $0x70, s13;
	s28 =	sand.u32 $0x1C00, s13;
	[sflag:s6] =	ssyncset.done @!p0 $0x0  }
0xb8: {  	s26 =	sor.u32 s26, s28;
	[sflag:s6] =	ssyncadd.s32 @!p0 $0xFFFFFC00  }
0xb9: {  	v59 =	vld [tilespmem:s26+$0x2080]  }
0xba: {  	v60 =	vld [tilespmem:s26+$0x2100];
	_ =	sdelay $0x1  }
0xbb: {  	v61 =	vld [tilespmem:s26+$0x2180];
	_ =	sdelay $0x1  }
0xbc: {  	v62 =	vld [tilespmem:s26+$0x2200]  }
0xbd: {  	v32 =	vmul.f32 v59, v16;
	v33 =	vmul.f32 v60, v17  }
0xbe: {  	v63 =	vld [tilespmem:s26+$0x2280]  }
0xbf: {  	v39 =	vmul.f32 v61, v18;
	v32 =	vadd.f32 v33, v32  }
0xc0: {  	v40 =	vld [tilespmem:s26+$0x2300]  }
0xc1: {  	v41 =	vmul.f32 v62, v19;
	v32 =	vadd.f32 v39, v32  }
0xc2: {  	s13 =	sor.u32 s13, s13;
	v42 =	vld [tilespmem:s26+$0x2380]  }
0xc3: {  	s13 =	sor.u32 $0x380, s13;
	v43 =	vmul.f32 v63, v20;
	v32 =	vadd.f32 v41, v32  }
0xc4: {  	v44 =	vld [tilespmem:s13+$0x2080]  }
0xc5: {  	v45 =	vmul.f32 v40, v21;
	v32 =	vadd.f32 v43, v32  }
0xc6: {  	v46 =	vld [tilespmem:s26+$0xA080]  }
0xc7: {  	v47 =	vmul.f32 v42, v22;
	v32 =	vadd.f32 v45, v32  }
0xc8: {  	v48 =	vld [tilespmem:s26+$0xA100]  }
0xc9: {  	v49 =	vmul.f32 v44, v23;
	v32 =	vadd.f32 v47, v32  }
0xca: {  	v50 =	vld [tilespmem:s26+$0xA180]  }
0xcb: {  	v51 =	vmul.f32 v46, v24;
	v32 =	vadd.f32 v49, v32  }
0xcc: {  	v52 =	vld [tilespmem:s26+$0xA200]  }
0xcd: {  	v53 =	vmul.f32 v48, v25;
	v32 =	vadd.f32 v51, v32  }
0xce: {  	v54 =	vld [tilespmem:s26+$0xA280]  }
0xcf: {  	v55 =	vmul.f32 v50, v26;
	v32 =	vadd.f32 v53, v32  }
0xd0: {  	v56 =	vld [tilespmem:s26+$0xA300]  }
0xd1: {  	v57 =	vmul.f32 v52, v27;
	v32 =	vadd.f32 v55, v32  }
0xd2: {  	v58 =	vld [tilespmem:s26+$0xA380]  }
0xd3: {  	v59 =	vmul.f32 v54, v28;
	v32 =	vadd.f32 v57, v32  }
0xd4: {  	v60 =	vld [tilespmem:s13+$0xA080]  }
0xd5: {  	v61 =	vmul.f32 v56, v29;
	v32 =	vadd.f32 v59, v32;
	_ =	sdelay $0x1  }
0xd6: {  	v62 =	vmul.f32 v58, v30;
	v32 =	vadd.f32 v61, v32;
	_ =	sdelay $0x1  }
0xd7: {  	v63 =	vmul.f32 v60, v31;
	v32 =	vadd.f32 v62, v32;
	_ =	sdelay $0x1  }
0xd8: {  	s20 =	simm.s32 $0x10;
	s6 =	simm.s32 $0x80;
	v32 =	vadd.f32 v63, v32  }
0xd9: {  	s28 =	sand.u32 $0x70, s20;
	s26 =	sand.u32 $0x1C00, s6;
	s13 =	simm.s32 $0x10480  }
0xda: {  	s21 =	sor.u32 s28, s26;
	s26 =	simm.s32 $0x20;
	[tilespmem:s13+$0x0] =	vst v32  }
.LBB2_5:
0xdb: {  	p2 =	sne.s32 s26, $0x3F0;
	v32 =	vld [tilespmem:s21+$0x2080]  }
0xdc: {  	v33 =	vld [tilespmem:s21+$0x2100];
	_ =	sdelay $0x1  }
0xdd: {  	v34 =	vld [tilespmem:s21+$0x2180];
	_ =	sdelay $0x1  }
0xde: {  	v35 =	vld [tilespmem:s21+$0x2200]  }
0xdf: {  	v32 =	vmul.f32 v32, v16;
	v33 =	vmul.f32 v33, v17  }
0xe0: {  	v36 =	vld [tilespmem:s21+$0x2280]  }
0xe1: {  	v32 =	vadd.f32 v33, v32;
	v33 =	vmul.f32 v34, v18  }
0xe2: {  	v34 =	vld [tilespmem:s21+$0x2300]  }
0xe3: {  	v32 =	vadd.f32 v33, v32;
	v33 =	vmul.f32 v35, v19  }
0xe4: {  	s28 =	sor.u32 s6, s20;
	s20 =	smov.u32 s26;
	v35 =	vld [tilespmem:s21+$0x2380]  }
0xe5: {  	s28 =	sor.u32 $0x380, s28;
	v32 =	vadd.f32 v33, v32;
	v33 =	vmul.f32 v36, v20  }
0xe6: {  	v36 =	vld [tilespmem:s28+$0x2080]  }
0xe7: {  	v32 =	vadd.f32 v33, v32;
	v33 =	vmul.f32 v34, v21  }
0xe8: {  	v34 =	vld [tilespmem:s21+$0xA080]  }
0xe9: {  	v32 =	vadd.f32 v33, v32;
	v33 =	vmul.f32 v35, v22  }
0xea: {  	v35 =	vld [tilespmem:s21+$0xA100]  }
0xeb: {  	v32 =	vadd.f32 v33, v32;
	v33 =	vmul.f32 v36, v23  }
0xec: {  	v36 =	vld [tilespmem:s21+$0xA180]  }
0xed: {  	v32 =	vadd.f32 v33, v32;
	v33 =	vmul.f32 v34, v24  }
0xee: {  	v34 =	vld [tilespmem:s21+$0xA200]  }
0xef: {  	v32 =	vadd.f32 v33, v32;
	v33 =	vmul.f32 v35, v25  }
0xf0: {  	v35 =	vld [tilespmem:s21+$0xA280]  }
0xf1: {  	v32 =	vadd.f32 v33, v32;
	v33 =	vmul.f32 v36, v26  }
0xf2: {  	v36 =	vld [tilespmem:s21+$0xA300]  }
0xf3: {  	v32 =	vadd.f32 v33, v32;
	v33 =	vmul.f32 v34, v27  }
0xf4: {  	v34 =	vld [tilespmem:s21+$0xA380]  }
0xf5: {  	v32 =	vadd.f32 v33, v32;
	v33 =	vmul.f32 v35, v28  }
0xf6: {  	v35 =	vld [tilespmem:s28+$0xA080]  }
0xf7: {  	v32 =	vadd.f32 v33, v32;
	v33 =	vmul.f32 v36, v29;
	_ =	sdelay $0x1  }
0xf8: {  	v32 =	vadd.f32 v33, v32;
	v33 =	vmul.f32 v34, v30;
	_ =	sdelay $0x1  }
.Ltmp3:
0xf9: {  	v32 =	vadd.f32 v33, v32;
	v33 =	vmul.f32 v35, v31;
	(pc) =	sbr.rel @p2 .LBB2_5-.Ltmp3, $4  }
0xfa: {  	_ = 	snop  }
0xfb: {  	s6 =	sadd.s32 $0x80, s6;
	v32 =	vadd.f32 v33, v32  }
0xfc: {  	s13 =	sadd.s32 $0x10, s13;
	s21 =	sand.u32 $0x70, s26;
	s28 =	sand.u32 $0x1C00, s6  }
0xfd: {  	s26 =	sadd.s32 $0x10, s26;
	s21 =	sor.u32 s21, s28;
	[tilespmem:s13+$0x0] =	vst v32  }
0xfe: {  	v32 =	vld [tilespmem:s21+$0x2080]  }
0xff: {  	v33 =	vld [tilespmem:s21+$0x2100];
	_ =	sdelay $0x1  }
0x100: {  	v34 =	vld [tilespmem:s21+$0x2180];
	_ =	sdelay $0x1  }
0x101: {  	v35 =	vld [tilespmem:s21+$0x2200]  }
0x102: {  	v32 =	vmul.f32 v32, v16;
	v33 =	vmul.f32 v33, v17  }
0x103: {  	v36 =	vld [tilespmem:s21+$0x2280]  }
0x104: {  	v58 =	vmul.f32 v34, v18;
	v32 =	vadd.f32 v33, v32  }
0x105: {  	v59 =	vld [tilespmem:s21+$0x2300]  }
0x106: {  	v60 =	vmul.f32 v35, v19;
	v32 =	vadd.f32 v58, v32  }
0x107: {  	v61 =	vld [tilespmem:s21+$0x2380];
	s6 =	sor.u32 s6, s20  }
0x108: {  	s6 =	sor.u32 $0x380, s6;
	v62 =	vmul.f32 v36, v20;
	v32 =	vadd.f32 v60, v32  }
0x109: {  	v63 =	vld [tilespmem:s6+$0x2080]  }
0x10a: {  	v40 =	vmul.f32 v59, v21;
	v32 =	vadd.f32 v62, v32  }
0x10b: {  	v41 =	vld [tilespmem:s21+$0xA080]  }
0x10c: {  	v42 =	vmul.f32 v61, v22;
	v32 =	vadd.f32 v40, v32  }
0x10d: {  	v43 =	vld [tilespmem:s21+$0xA100]  }
0x10e: {  	v44 =	vmul.f32 v63, v23;
	v32 =	vadd.f32 v42, v32  }
0x10f: {  	v45 =	vld [tilespmem:s21+$0xA180]  }
0x110: {  	v46 =	vmul.f32 v41, v24;
	v32 =	vadd.f32 v44, v32  }
0x111: {  	v47 =	vld [tilespmem:s21+$0xA200]  }
0x112: {  	v48 =	vmul.f32 v43, v25;
	v32 =	vadd.f32 v46, v32  }
0x113: {  	v49 =	vld [tilespmem:s21+$0xA280]  }
0x114: {  	v50 =	vmul.f32 v45, v26;
	v32 =	vadd.f32 v48, v32  }
0x115: {  	v51 =	vld [tilespmem:s21+$0xA300]  }
0x116: {  	v52 =	vmul.f32 v47, v27;
	v32 =	vadd.f32 v50, v32  }
0x117: {  	v53 =	vld [tilespmem:s21+$0xA380]  }
0x118: {  	v54 =	vmul.f32 v49, v28;
	v32 =	vadd.f32 v52, v32  }
0x119: {  	v55 =	vld [tilespmem:s6+$0xA080]  }
0x11a: {  	v56 =	vmul.f32 v51, v29;
	v32 =	vadd.f32 v54, v32;
	_ =	sdelay $0x1  }
0x11b: {  	v57 =	vmul.f32 v53, v30;
	v32 =	vadd.f32 v56, v32;
	_ =	sdelay $0x1  }
0x11c: {  	v58 =	vmul.f32 v55, v31;
	v32 =	vadd.f32 v57, v32;
	_ =	sdelay $0x1  }
0x11d: {  	s21 =	sor.u32 s14, s12;
	v32 =	vadd.f32 v58, v32  }
0x11e: {  	s13 =	sadd.s32 $0x10, s13;
	s12 =	sadd.s32 s21, s5  }
0x11f: {  	s6 =	sadd.s32 $0x1000, s12;
	[tilespmem:s13+$0x0] =	vst v32  }
0x120: {  	[hbm4b:s6+s4] =	stream.linear.scatter [tilespmem:s2], [sflag:$0x6], $0x400, $0x38;
	[tilespmem:$0x11080] =	vst v63  }
0x121: {  	s6 =	sadd.s32 @!p1 s16, s11  }
0x122: {  	s6 =	sshrl.u32 @!p1 s6, $0x3  }
0x123: {  	s20 =	simm.s32 @!p1 $0x2080;
	s13 =	simm.s32 @!p1 $0x0;
	s6 =	sadd.s32 @!p1 s1, s6  }
0x124: {  	[tilespmem:s20], [sflag:$0x2] =	stream.linear.gather @!p1 [hbm4b:s6+s13], $0x2000, $0x38;
	[tilespmem:$0x11080] =	vst v63  }
0x125: {  	s6 =	sadd.s32 @!p1 $0xF4280, s6;
	s20 =	simm.s32 @!p1 $0xA080  }
0x126: {  	[tilespmem:s20], [sflag:$0x2] =	stream.linear.gather @!p1 [hbm4b:s6+s13], $0x2000, $0x38;
	[tilespmem:$0x11080] =	vst v63  }
0x127: {  	_ =	swait.ge [sflag:s22], $0x2000  }
0x128: {  	[sflag:s22] =	ssyncset.done $0x0  }
0x129: {  	[sflag:s22] =	ssyncadd.s32 $0xFFFFE000  }
0x12a: {  	_ =	swait.ge [sflag:s22], $0x2000  }
0x12b: {  	[sflag:s22] =	ssyncset.done $0x0  }
0x12c: {  	s6 =	simm.s32 @!p0 $0x7;
	[sflag:s22] =	ssyncadd.s32 $0xFFFFE000  }
0x12d: {  	s13 =	simm.s32 $0x0;
	_ =	swait.ge @!p0 [sflag:s6], $0x400  }
0x12e: {  	s26 =	sand.u32 $0x70, s13;
	s28 =	sand.u32 $0x1C00, s13;
	[sflag:s6] =	ssyncset.done @!p0 $0x0  }
0x12f: {  	s26 =	sor.u32 s26, s28;
	[sflag:s6] =	ssyncadd.s32 @!p0 $0xFFFFFC00  }
0x130: {  	v59 =	vld [tilespmem:s26+$0x4080]  }
0x131: {  	v60 =	vld [tilespmem:s26+$0x4100];
	_ =	sdelay $0x1  }
0x132: {  	v61 =	vld [tilespmem:s26+$0x4180];
	_ =	sdelay $0x1  }
0x133: {  	v62 =	vld [tilespmem:s26+$0x4200]  }
0x134: {  	v32 =	vmul.f32 v59, v16;
	v33 =	vmul.f32 v60, v17  }
0x135: {  	v63 =	vld [tilespmem:s26+$0x4280]  }
0x136: {  	v39 =	vmul.f32 v61, v18;
	v32 =	vadd.f32 v33, v32  }
0x137: {  	v40 =	vld [tilespmem:s26+$0x4300]  }
0x138: {  	v41 =	vmul.f32 v62, v19;
	v32 =	vadd.f32 v39, v32  }
0x139: {  	s13 =	sor.u32 s13, s13;
	v42 =	vld [tilespmem:s26+$0x4380]  }
0x13a: {  	s13 =	sor.u32 $0x380, s13;
	v43 =	vmul.f32 v63, v20;
	v32 =	vadd.f32 v41, v32  }
0x13b: {  	v44 =	vld [tilespmem:s13+$0x4080]  }
0x13c: {  	v45 =	vmul.f32 v40, v21;
	v32 =	vadd.f32 v43, v32  }
0x13d: {  	v46 =	vld [tilespmem:s26+$0xC080]  }
0x13e: {  	v47 =	vmul.f32 v42, v22;
	v32 =	vadd.f32 v45, v32  }
0x13f: {  	v48 =	vld [tilespmem:s26+$0xC100]  }
0x140: {  	v49 =	vmul.f32 v44, v23;
	v32 =	vadd.f32 v47, v32  }
0x141: {  	v50 =	vld [tilespmem:s26+$0xC180]  }
0x142: {  	v51 =	vmul.f32 v46, v24;
	v32 =	vadd.f32 v49, v32  }
0x143: {  	v52 =	vld [tilespmem:s26+$0xC200]  }
0x144: {  	v53 =	vmul.f32 v48, v25;
	v32 =	vadd.f32 v51, v32  }
0x145: {  	v54 =	vld [tilespmem:s26+$0xC280]  }
0x146: {  	v55 =	vmul.f32 v50, v26;
	v32 =	vadd.f32 v53, v32  }
0x147: {  	v56 =	vld [tilespmem:s26+$0xC300]  }
0x148: {  	v57 =	vmul.f32 v52, v27;
	v32 =	vadd.f32 v55, v32  }
0x149: {  	v58 =	vld [tilespmem:s26+$0xC380]  }
0x14a: {  	v59 =	vmul.f32 v54, v28;
	v32 =	vadd.f32 v57, v32  }
0x14b: {  	v60 =	vld [tilespmem:s13+$0xC080]  }
0x14c: {  	v61 =	vmul.f32 v56, v29;
	v32 =	vadd.f32 v59, v32;
	_ =	sdelay $0x1  }
0x14d: {  	v62 =	vmul.f32 v58, v30;
	v32 =	vadd.f32 v61, v32;
	_ =	sdelay $0x1  }
0x14e: {  	v63 =	vmul.f32 v60, v31;
	v32 =	vadd.f32 v62, v32;
	_ =	sdelay $0x1  }
0x14f: {  	s20 =	simm.s32 $0x10;
	s6 =	simm.s32 $0x80;
	v32 =	vadd.f32 v63, v32  }
0x150: {  	s28 =	sand.u32 $0x70, s20;
	s26 =	sand.u32 $0x1C00, s6;
	s13 =	simm.s32 $0x10880  }
0x151: {  	s21 =	sor.u32 s28, s26;
	s26 =	simm.s32 $0x20;
	[tilespmem:s13+$0x0] =	vst v32  }
.LBB2_7:
0x152: {  	p2 =	sne.s32 s26, $0x3F0;
	v32 =	vld [tilespmem:s21+$0x4080]  }
0x153: {  	v33 =	vld [tilespmem:s21+$0x4100];
	_ =	sdelay $0x1  }
0x154: {  	v34 =	vld [tilespmem:s21+$0x4180];
	_ =	sdelay $0x1  }
0x155: {  	v35 =	vld [tilespmem:s21+$0x4200]  }
0x156: {  	v32 =	vmul.f32 v32, v16;
	v33 =	vmul.f32 v33, v17  }
0x157: {  	v36 =	vld [tilespmem:s21+$0x4280]  }
0x158: {  	v32 =	vadd.f32 v33, v32;
	v33 =	vmul.f32 v34, v18  }
0x159: {  	v34 =	vld [tilespmem:s21+$0x4300]  }
0x15a: {  	v32 =	vadd.f32 v33, v32;
	v33 =	vmul.f32 v35, v19  }
0x15b: {  	s28 =	sor.u32 s6, s20;
	s20 =	smov.u32 s26;
	v35 =	vld [tilespmem:s21+$0x4380]  }
0x15c: {  	s28 =	sor.u32 $0x380, s28;
	v32 =	vadd.f32 v33, v32;
	v33 =	vmul.f32 v36, v20  }
0x15d: {  	v36 =	vld [tilespmem:s28+$0x4080]  }
0x15e: {  	v32 =	vadd.f32 v33, v32;
	v33 =	vmul.f32 v34, v21  }
0x15f: {  	v34 =	vld [tilespmem:s21+$0xC080]  }
0x160: {  	v32 =	vadd.f32 v33, v32;
	v33 =	vmul.f32 v35, v22  }
0x161: {  	v35 =	vld [tilespmem:s21+$0xC100]  }
0x162: {  	v32 =	vadd.f32 v33, v32;
	v33 =	vmul.f32 v36, v23  }
0x163: {  	v36 =	vld [tilespmem:s21+$0xC180]  }
0x164: {  	v32 =	vadd.f32 v33, v32;
	v33 =	vmul.f32 v34, v24  }
0x165: {  	v34 =	vld [tilespmem:s21+$0xC200]  }
0x166: {  	v32 =	vadd.f32 v33, v32;
	v33 =	vmul.f32 v35, v25  }
0x167: {  	v35 =	vld [tilespmem:s21+$0xC280]  }
0x168: {  	v32 =	vadd.f32 v33, v32;
	v33 =	vmul.f32 v36, v26  }
0x169: {  	v36 =	vld [tilespmem:s21+$0xC300]  }
0x16a: {  	v32 =	vadd.f32 v33, v32;
	v33 =	vmul.f32 v34, v27  }
0x16b: {  	v34 =	vld [tilespmem:s21+$0xC380]  }
0x16c: {  	v32 =	vadd.f32 v33, v32;
	v33 =	vmul.f32 v35, v28  }
0x16d: {  	v35 =	vld [tilespmem:s28+$0xC080]  }
0x16e: {  	v32 =	vadd.f32 v33, v32;
	v33 =	vmul.f32 v36, v29;
	_ =	sdelay $0x1  }
0x16f: {  	v32 =	vadd.f32 v33, v32;
	v33 =	vmul.f32 v34, v30;
	_ =	sdelay $0x1  }
.Ltmp4:
0x170: {  	v32 =	vadd.f32 v33, v32;
	v33 =	vmul.f32 v35, v31;
	(pc) =	sbr.rel @p2 .LBB2_7-.Ltmp4, $4  }
0x171: {  	_ = 	snop  }
0x172: {  	s6 =	sadd.s32 $0x80, s6;
	v32 =	vadd.f32 v33, v32  }
0x173: {  	s13 =	sadd.s32 $0x10, s13;
	s21 =	sand.u32 $0x70, s26;
	s28 =	sand.u32 $0x1C00, s6  }
0x174: {  	s26 =	sadd.s32 $0x10, s26;
	s21 =	sor.u32 s21, s28;
	[tilespmem:s13+$0x0] =	vst v32  }
0x175: {  	v32 =	vld [tilespmem:s21+$0x4080]  }
0x176: {  	v33 =	vld [tilespmem:s21+$0x4100];
	_ =	sdelay $0x1  }
0x177: {  	v34 =	vld [tilespmem:s21+$0x4180];
	_ =	sdelay $0x1  }
0x178: {  	v35 =	vld [tilespmem:s21+$0x4200]  }
0x179: {  	v32 =	vmul.f32 v32, v16;
	v33 =	vmul.f32 v33, v17  }
0x17a: {  	v36 =	vld [tilespmem:s21+$0x4280]  }
0x17b: {  	v58 =	vmul.f32 v34, v18;
	v32 =	vadd.f32 v33, v32  }
0x17c: {  	v59 =	vld [tilespmem:s21+$0x4300]  }
0x17d: {  	v60 =	vmul.f32 v35, v19;
	v32 =	vadd.f32 v58, v32  }
0x17e: {  	v61 =	vld [tilespmem:s21+$0x4380];
	s6 =	sor.u32 s6, s20  }
0x17f: {  	s6 =	sor.u32 $0x380, s6;
	v62 =	vmul.f32 v36, v20;
	v32 =	vadd.f32 v60, v32  }
0x180: {  	v63 =	vld [tilespmem:s6+$0x4080]  }
0x181: {  	v40 =	vmul.f32 v59, v21;
	v32 =	vadd.f32 v62, v32  }
0x182: {  	v41 =	vld [tilespmem:s21+$0xC080]  }
0x183: {  	v42 =	vmul.f32 v61, v22;
	v32 =	vadd.f32 v40, v32  }
0x184: {  	v43 =	vld [tilespmem:s21+$0xC100]  }
0x185: {  	v44 =	vmul.f32 v63, v23;
	v32 =	vadd.f32 v42, v32  }
0x186: {  	v45 =	vld [tilespmem:s21+$0xC180]  }
0x187: {  	v46 =	vmul.f32 v41, v24;
	v32 =	vadd.f32 v44, v32  }
0x188: {  	v47 =	vld [tilespmem:s21+$0xC200]  }
0x189: {  	v48 =	vmul.f32 v43, v25;
	v32 =	vadd.f32 v46, v32  }
0x18a: {  	v49 =	vld [tilespmem:s21+$0xC280]  }
0x18b: {  	v50 =	vmul.f32 v45, v26;
	v32 =	vadd.f32 v48, v32  }
0x18c: {  	v51 =	vld [tilespmem:s21+$0xC300]  }
0x18d: {  	v52 =	vmul.f32 v47, v27;
	v32 =	vadd.f32 v50, v32  }
0x18e: {  	v53 =	vld [tilespmem:s21+$0xC380]  }
0x18f: {  	v54 =	vmul.f32 v49, v28;
	v32 =	vadd.f32 v52, v32  }
0x190: {  	v55 =	vld [tilespmem:s6+$0xC080]  }
0x191: {  	v56 =	vmul.f32 v51, v29;
	v32 =	vadd.f32 v54, v32;
	_ =	sdelay $0x1  }
0x192: {  	v57 =	vmul.f32 v53, v30;
	v32 =	vadd.f32 v56, v32;
	_ =	sdelay $0x1  }
0x193: {  	v58 =	vmul.f32 v55, v31;
	v32 =	vadd.f32 v57, v32;
	_ =	sdelay $0x1  }
0x194: {  	v32 =	vadd.f32 v58, v32  }
0x195: {  	s20 =	sadd.s32 $0x10, s13;
	s6 =	sadd.s32 @!p1 s17, s11  }
0x196: {  	s21 =	sadd.s32 $0x2000, s12;
	s6 =	sshrl.u32 @!p1 s6, $0x3;
	[tilespmem:s20+$0x0] =	vst v32  }
0x197: {  	[hbm4b:s21+s4] =	stream.linear.scatter [tilespmem:s23], [sflag:$0x7], $0x400, $0x38;
	[tilespmem:$0x11080] =	vst v63  }
0x198: {  	s13 =	simm.s32 @!p1 $0x0;
	s6 =	sadd.s32 @!p1 s1, s6;
	s20 =	simm.s32 @!p1 $0x4080  }
0x199: {  	[tilespmem:s20], [sflag:$0x3] =	stream.linear.gather @!p1 [hbm4b:s6+s13], $0x2000, $0x38;
	[tilespmem:$0x11080] =	vst v63  }
0x19a: {  	s6 =	sadd.s32 @!p1 $0xF4280, s6;
	s20 =	simm.s32 @!p1 $0xC080  }
0x19b: {  	[tilespmem:s20], [sflag:$0x3] =	stream.linear.gather @!p1 [hbm4b:s6+s13], $0x2000, $0x38;
	[tilespmem:$0x11080] =	vst v63  }
0x19c: {  	_ =	swait.ge [sflag:s24], $0x2000  }
0x19d: {  	[sflag:s24] =	ssyncset.done $0x0  }
0x19e: {  	[sflag:s24] =	ssyncadd.s32 $0xFFFFE000  }
0x19f: {  	_ =	swait.ge [sflag:s24], $0x2000  }
0x1a0: {  	[sflag:s24] =	ssyncset.done $0x0  }
0x1a1: {  	s6 =	simm.s32 @!p0 $0x8;
	[sflag:s24] =	ssyncadd.s32 $0xFFFFE000  }
0x1a2: {  	s13 =	simm.s32 $0x0;
	_ =	swait.ge @!p0 [sflag:s6], $0x400  }
0x1a3: {  	s26 =	sand.u32 $0x70, s13;
	s28 =	sand.u32 $0x1C00, s13;
	[sflag:s6] =	ssyncset.done @!p0 $0x0  }
0x1a4: {  	s26 =	sor.u32 s26, s28;
	[sflag:s6] =	ssyncadd.s32 @!p0 $0xFFFFFC00  }
0x1a5: {  	v59 =	vld [tilespmem:s26+$0x6080]  }
0x1a6: {  	v60 =	vld [tilespmem:s26+$0x6100];
	_ =	sdelay $0x1  }
0x1a7: {  	v61 =	vld [tilespmem:s26+$0x6180];
	_ =	sdelay $0x1  }
0x1a8: {  	v62 =	vld [tilespmem:s26+$0x6200]  }
0x1a9: {  	v32 =	vmul.f32 v59, v16;
	v33 =	vmul.f32 v60, v17  }
0x1aa: {  	v63 =	vld [tilespmem:s26+$0x6280]  }
0x1ab: {  	v39 =	vmul.f32 v61, v18;
	v32 =	vadd.f32 v33, v32  }
0x1ac: {  	v40 =	vld [tilespmem:s26+$0x6300]  }
0x1ad: {  	v41 =	vmul.f32 v62, v19;
	v32 =	vadd.f32 v39, v32  }
0x1ae: {  	s13 =	sor.u32 s13, s13;
	v42 =	vld [tilespmem:s26+$0x6380]  }
0x1af: {  	s13 =	sor.u32 $0x380, s13;
	v43 =	vmul.f32 v63, v20;
	v32 =	vadd.f32 v41, v32  }
0x1b0: {  	v44 =	vld [tilespmem:s13+$0x6080]  }
0x1b1: {  	v45 =	vmul.f32 v40, v21;
	v32 =	vadd.f32 v43, v32  }
0x1b2: {  	v46 =	vld [tilespmem:s26+$0xE080]  }
0x1b3: {  	v47 =	vmul.f32 v42, v22;
	v32 =	vadd.f32 v45, v32  }
0x1b4: {  	v48 =	vld [tilespmem:s26+$0xE100]  }
0x1b5: {  	v49 =	vmul.f32 v44, v23;
	v32 =	vadd.f32 v47, v32  }
0x1b6: {  	v50 =	vld [tilespmem:s26+$0xE180]  }
0x1b7: {  	v51 =	vmul.f32 v46, v24;
	v32 =	vadd.f32 v49, v32  }
0x1b8: {  	v52 =	vld [tilespmem:s26+$0xE200]  }
0x1b9: {  	v53 =	vmul.f32 v48, v25;
	v32 =	vadd.f32 v51, v32  }
0x1ba: {  	v54 =	vld [tilespmem:s26+$0xE280]  }
0x1bb: {  	v55 =	vmul.f32 v50, v26;
	v32 =	vadd.f32 v53, v32  }
0x1bc: {  	v56 =	vld [tilespmem:s26+$0xE300]  }
0x1bd: {  	v57 =	vmul.f32 v52, v27;
	v32 =	vadd.f32 v55, v32  }
0x1be: {  	v58 =	vld [tilespmem:s26+$0xE380]  }
0x1bf: {  	v59 =	vmul.f32 v54, v28;
	v32 =	vadd.f32 v57, v32  }
0x1c0: {  	v60 =	vld [tilespmem:s13+$0xE080]  }
0x1c1: {  	v61 =	vmul.f32 v56, v29;
	v32 =	vadd.f32 v59, v32;
	_ =	sdelay $0x1  }
0x1c2: {  	v62 =	vmul.f32 v58, v30;
	v32 =	vadd.f32 v61, v32;
	_ =	sdelay $0x1  }
0x1c3: {  	v63 =	vmul.f32 v60, v31;
	v32 =	vadd.f32 v62, v32;
	_ =	sdelay $0x1  }
0x1c4: {  	s20 =	simm.s32 $0x10;
	s6 =	simm.s32 $0x80;
	v32 =	vadd.f32 v63, v32  }
0x1c5: {  	s28 =	sand.u32 $0x70, s20;
	s26 =	sand.u32 $0x1C00, s6;
	s13 =	simm.s32 $0x10C80  }
0x1c6: {  	s21 =	sor.u32 s28, s26;
	s26 =	simm.s32 $0x20;
	[tilespmem:s13+$0x0] =	vst v32  }
.LBB2_9:
0x1c7: {  	p0 =	sne.s32 s26, $0x3F0;
	v32 =	vld [tilespmem:s21+$0x6080]  }
0x1c8: {  	v33 =	vld [tilespmem:s21+$0x6100];
	_ =	sdelay $0x1  }
0x1c9: {  	v34 =	vld [tilespmem:s21+$0x6180];
	_ =	sdelay $0x1  }
0x1ca: {  	v35 =	vld [tilespmem:s21+$0x6200]  }
0x1cb: {  	v32 =	vmul.f32 v32, v16;
	v33 =	vmul.f32 v33, v17  }
0x1cc: {  	v36 =	vld [tilespmem:s21+$0x6280]  }
0x1cd: {  	v32 =	vadd.f32 v33, v32;
	v33 =	vmul.f32 v34, v18  }
0x1ce: {  	v34 =	vld [tilespmem:s21+$0x6300]  }
0x1cf: {  	v32 =	vadd.f32 v33, v32;
	v33 =	vmul.f32 v35, v19  }
0x1d0: {  	s28 =	sor.u32 s6, s20;
	s20 =	smov.u32 s26;
	v35 =	vld [tilespmem:s21+$0x6380]  }
0x1d1: {  	s28 =	sor.u32 $0x380, s28;
	v32 =	vadd.f32 v33, v32;
	v33 =	vmul.f32 v36, v20  }
0x1d2: {  	v36 =	vld [tilespmem:s28+$0x6080]  }
0x1d3: {  	v32 =	vadd.f32 v33, v32;
	v33 =	vmul.f32 v34, v21  }
0x1d4: {  	v34 =	vld [tilespmem:s21+$0xE080]  }
0x1d5: {  	v32 =	vadd.f32 v33, v32;
	v33 =	vmul.f32 v35, v22  }
0x1d6: {  	v35 =	vld [tilespmem:s21+$0xE100]  }
0x1d7: {  	v32 =	vadd.f32 v33, v32;
	v33 =	vmul.f32 v36, v23  }
0x1d8: {  	v36 =	vld [tilespmem:s21+$0xE180]  }
0x1d9: {  	v32 =	vadd.f32 v33, v32;
	v33 =	vmul.f32 v34, v24  }
0x1da: {  	v34 =	vld [tilespmem:s21+$0xE200]  }
0x1db: {  	v32 =	vadd.f32 v33, v32;
	v33 =	vmul.f32 v35, v25  }
0x1dc: {  	v35 =	vld [tilespmem:s21+$0xE280]  }
0x1dd: {  	v32 =	vadd.f32 v33, v32;
	v33 =	vmul.f32 v36, v26  }
0x1de: {  	v36 =	vld [tilespmem:s21+$0xE300]  }
0x1df: {  	v32 =	vadd.f32 v33, v32;
	v33 =	vmul.f32 v34, v27  }
0x1e0: {  	v34 =	vld [tilespmem:s21+$0xE380]  }
0x1e1: {  	v32 =	vadd.f32 v33, v32;
	v33 =	vmul.f32 v35, v28  }
0x1e2: {  	v35 =	vld [tilespmem:s28+$0xE080]  }
0x1e3: {  	v32 =	vadd.f32 v33, v32;
	v33 =	vmul.f32 v36, v29;
	_ =	sdelay $0x1  }
0x1e4: {  	v32 =	vadd.f32 v33, v32;
	v33 =	vmul.f32 v34, v30;
	_ =	sdelay $0x1  }
.Ltmp5:
0x1e5: {  	v32 =	vadd.f32 v33, v32;
	v33 =	vmul.f32 v35, v31;
	(pc) =	sbr.rel @p0 .LBB2_9-.Ltmp5, $4  }
0x1e6: {  	_ = 	snop  }
0x1e7: {  	s6 =	sadd.s32 $0x80, s6;
	v32 =	vadd.f32 v33, v32  }
0x1e8: {  	s13 =	sadd.s32 $0x10, s13;
	s21 =	sand.u32 $0x70, s26;
	s28 =	sand.u32 $0x1C00, s6  }
0x1e9: {  	s26 =	sadd.s32 $0x10, s26;
	s21 =	sor.u32 s21, s28;
	[tilespmem:s13+$0x0] =	vst v32  }
0x1ea: {  	v32 =	vld [tilespmem:s21+$0x6080]  }
0x1eb: {  	v33 =	vld [tilespmem:s21+$0x6100];
	_ =	sdelay $0x1  }
0x1ec: {  	v34 =	vld [tilespmem:s21+$0x6180];
	_ =	sdelay $0x1  }
0x1ed: {  	v35 =	vld [tilespmem:s21+$0x6200]  }
0x1ee: {  	v32 =	vmul.f32 v32, v16;
	v33 =	vmul.f32 v33, v17  }
0x1ef: {  	v36 =	vld [tilespmem:s21+$0x6280]  }
0x1f0: {  	v39 =	vmul.f32 v34, v18;
	v32 =	vadd.f32 v33, v32  }
0x1f1: {  	v40 =	vld [tilespmem:s21+$0x6300]  }
0x1f2: {  	v41 =	vmul.f32 v35, v19;
	v32 =	vadd.f32 v39, v32  }
0x1f3: {  	v42 =	vld [tilespmem:s21+$0x6380];
	s6 =	sor.u32 s6, s20  }
0x1f4: {  	s6 =	sor.u32 $0x380, s6;
	v43 =	vmul.f32 v36, v20;
	v32 =	vadd.f32 v41, v32  }
0x1f5: {  	v44 =	vld [tilespmem:s6+$0x6080]  }
0x1f6: {  	v45 =	vmul.f32 v40, v21;
	v32 =	vadd.f32 v43, v32  }
0x1f7: {  	v46 =	vld [tilespmem:s21+$0xE080]  }
0x1f8: {  	v47 =	vmul.f32 v42, v22;
	v32 =	vadd.f32 v45, v32  }
0x1f9: {  	v48 =	vld [tilespmem:s21+$0xE100]  }
0x1fa: {  	v49 =	vmul.f32 v44, v23;
	v32 =	vadd.f32 v47, v32  }
0x1fb: {  	v50 =	vld [tilespmem:s21+$0xE180]  }
0x1fc: {  	v51 =	vmul.f32 v46, v24;
	v32 =	vadd.f32 v49, v32  }
0x1fd: {  	v52 =	vld [tilespmem:s21+$0xE200]  }
0x1fe: {  	v53 =	vmul.f32 v48, v25;
	v32 =	vadd.f32 v51, v32  }
0x1ff: {  	v54 =	vld [tilespmem:s21+$0xE280]  }
0x200: {  	v55 =	vmul.f32 v50, v26;
	v32 =	vadd.f32 v53, v32  }
0x201: {  	v56 =	vld [tilespmem:s21+$0xE300]  }
0x202: {  	v57 =	vmul.f32 v52, v27;
	v32 =	vadd.f32 v55, v32  }
0x203: {  	v58 =	vld [tilespmem:s21+$0xE380]  }
0x204: {  	v59 =	vmul.f32 v54, v28;
	v32 =	vadd.f32 v57, v32  }
0x205: {  	v60 =	vld [tilespmem:s6+$0xE080]  }
0x206: {  	v61 =	vmul.f32 v56, v29;
	v32 =	vadd.f32 v59, v32;
	_ =	sdelay $0x1  }
0x207: {  	v62 =	vmul.f32 v58, v30;
	v32 =	vadd.f32 v61, v32;
	_ =	sdelay $0x1  }
0x208: {  	v63 =	vmul.f32 v60, v31;
	v32 =	vadd.f32 v62, v32  }
.Ltmp6:
0x209: {  	_ = 	snop;
	(pc) =	sbr.rel @p1 .LBB2_12-.Ltmp6, $4  }
0x20a: {  	v32 =	vadd.f32 v63, v32  }
0x20b: {  	s26 =	sadd.s32 $0x10, s13  }
0x20c: {  	s28 =	sadd.s32 $0x3000, s12;
	[tilespmem:s26+$0x0] =	vst v32  }
0x20d: {  	[hbm4b:s28+s4] =	stream.linear.scatter [tilespmem:s25], [sflag:$0x8], $0x400, $0x38;
	[tilespmem:$0x11080] =	vst v63  }
0x20e: {  	s6 =	sadd.s32 s18, s11  }
.Ltmp7:
0x20f: {  	s6 =	sshrl.u32 s6, $0x3;
	(pc) =	sbr.rel .LBB2_2-.Ltmp7, $4  }
0x210: {  	s6 =	sadd.s32 s1, s6  }
0x211: {  	[tilespmem:s29], [sflag:$0x4] =	stream.linear.gather [hbm4b:s6+s4], $0x2000, $0x38;
	[tilespmem:$0x11080] =	vst v63  }
0x212: {  	s10 =	sadd.s32 $0x1, s10;
	s6 =	sadd.s32 $0xF4280, s6  }
0x213: {  	[tilespmem:s30], [sflag:$0x4] =	stream.linear.gather [hbm4b:s6+s4], $0x2000, $0x38;
	[tilespmem:$0x11080] =	vst v63  }
.LBB2_13:
0x214: {  	_ =	sfence.sel $0x180000  }
0x215: {  	[bflag:$0x0] =	sbarrier.arrive $0xFFFF  }
0x216: {  	_ =	strace $0x90000047  }
0x217: {  	s0 =	stileid.u32;
	[bflag:$0x2] =	sbarrier.arrive $0xFFFF  }
0x218: {  	p0 =	sne.s32 s0, $0x0;
	s0 =	rddreg [dreg:$0x3]  }
0x219: {  	s0 =	sadd.s32 @!p0 $0x100000, s0  }
0x21a: {  	[sflag:s0] =	ssyncadd.tile.s32 @!p0 $0x1;
	_ =	shalt  }
.Lfunc_end2:
_tile_overlayer_lowered:
.L_overlay_start_2:
0x21b: {  	(tag) =	ssettag $0x2  }
0x21c: {  	s0 =	rddreg [dreg:$0x0];
	s2 =	stileid.u32  }
0x21d: {  	s1 =	rddreg [dreg:$0x1];
	p0 =	sne.s32 s2, $0x0  }
0x21e: {  	s3 =	rddreg [dreg:$0x2];
	[bflag:$0x3] =	sbarrier.arrive $0xFFFF;
	s2 =	simm.s32 @!p0 $0x1C09  }
0x21f: {  	[timem:s3], [sflag:s2] =	dma.local @!p0 [hbm:s0], s1  }
0x220: {  	s0 =	simm.s32 @!p0 $0x9  }
0x221: {  	_ =	swait.ge @!p0 [sflag:s0], s1  }
0x222: {  	s1 =	ssub.s32 @!p0 $0x0, s1;
	[sflag:s0] =	ssyncset.done @!p0 $0x0  }
0x223: {  	[sflag:s0] =	ssyncadd.s32 @!p0 s1  }
0x224: {  	[bflag:$0x3] =	sbarrier.arrive $0xFFFF  }
0x225: {  	_ =	shalt  }

</sc_bundles>
